<compile_context>
chip_gen: v7x
topology: tpu7x:2x2x1
jax: 0.10.2.dev20260603
libtpu: 0.0.44.dev20260713+nightly
codegen_flags: <defaults>
</compile_context>

<pallas_src>
import functools

import jax
import jax.numpy as jnp
from jax import lax
from jax.experimental import pallas as pl
from jax.experimental.pallas import tpu as pltpu
from jax.experimental.pallas import tpu_sc as plsc

N = 10000
NP = 10240
D = 256
H1 = 128
E = 160000
EP = 163840
NC = 2
NT = 16
NW = NC * NT
WIN = 64
NWIN = EP // (NW * WIN)
DEPTH = 4
EPT = EP // NW
RPT = NP // NT
VL = 16

_mesh = plsc.VectorSubcoreMesh(core_axis_name="c", subcore_axis_name="s")


def _zero_1d(ref, nwords):
    def body(i, _):
        ref[pl.ds(i * VL, VL)] = jnp.zeros((VL,), jnp.float32)
        return 0
    lax.fori_loop(0, nwords // VL, body, 0)


def _zero_2d(ref, nrows, ncols):
    def body(i, _):
        for k in range(ncols // VL):
            ref[i, pl.ds(k * VL, VL)] = jnp.zeros((VL,), jnp.float32)
        return 0
    lax.fori_loop(0, nrows, body, 0)


@functools.partial(
    pl.kernel,
    out_type=jax.ShapeDtypeStruct((NW, NP), jnp.float32),
    mesh=_mesh,
    scratch_types=[
        pltpu.MemorySpace.VMEM((EPT,), jnp.int32),
        pltpu.MemorySpace.VMEM((NP,), jnp.float32),
    ],
    compiler_params=pltpu.CompilerParams(needs_layout_passes=False),
)
def _deg_kernel(dst_hbm, out, dst_v, acc_v):
    c = lax.axis_index("c")
    s = lax.axis_index("s")
    w = c * NT + s

    _zero_1d(acc_v, NP)
    pltpu.sync_copy(dst_hbm.at[pl.ds(w * EPT, EPT)], dst_v)

    ones = jnp.ones((VL,), jnp.float32)

    def body(i, _):
        idx = dst_v[pl.ds(i * VL, VL)]
        plsc.addupdate_scatter(acc_v, [idx], ones)
        return 0
    lax.fori_loop(0, EPT // VL, body, 0)

    pltpu.sync_copy(acc_v, out.at[w])


@functools.partial(
    pl.kernel,
    out_type=[jax.ShapeDtypeStruct((NP, H1), jnp.float32) for _ in range(NC)],
    mesh=_mesh,
    scratch_types=[
        pltpu.MemorySpace.VMEM((NWIN, 2 * WIN), jnp.int32),
        [pltpu.MemorySpace.VMEM((WIN, H1), jnp.float32) for _ in range(DEPTH)],
        pltpu.MemorySpace.VMEM_SHARED((NP, H1), jnp.float32),
        [pltpu.SemaphoreType.DMA for _ in range(DEPTH)],
        [pltpu.SemaphoreType.DMA for _ in range(DEPTH)],
    ],
)
def _agg_kernel(g_hbm, sd_hbm, out0, out1, sd_v, gbs, agg_s, gsems, ssems):
    c = lax.axis_index("c")
    s = lax.axis_index("s")
    w = c * NT + s

    _zero_2d(gbs[0], WIN, H1)
    for k in range(RPT // WIN):
        pltpu.sync_copy(gbs[0], agg_s.at[pl.ds(s * RPT + k * WIN, WIN)])
    pltpu.sync_copy(sd_hbm.at[pl.ds(w * NWIN, NWIN)], sd_v)
    plsc.subcore_barrier()

    for k in range(DEPTH):
        pltpu.async_copy(
            g_hbm.at[sd_v.at[k, pl.ds(0, WIN)]], gbs[k], gsems[k])

    assert NWIN % DEPTH == 0

    def step(u, _):
        for k in range(DEPTH):
            t = DEPTH * u + k
            pltpu.make_async_copy(
                g_hbm.at[sd_v.at[t, pl.ds(0, WIN)]], gbs[k], gsems[k]).wait()
            pltpu.async_copy(
                gbs[k], agg_s.at[sd_v.at[t, pl.ds(WIN, WIN)]], ssems[k],
                add=True)
            kp = (k - 1) % DEPTH
            tp = t - 1

            @pl.when((tp >= 0) & (tp + DEPTH < NWIN))
            def _():
                pltpu.make_async_copy(
                    gbs[kp], agg_s.at[sd_v.at[tp, pl.ds(WIN, WIN)]],
                    ssems[kp]).wait()
                pltpu.async_copy(
                    g_hbm.at[sd_v.at[tp + DEPTH, pl.ds(0, WIN)]],
                    gbs[kp], gsems[kp])
        return 0
    lax.fori_loop(0, NWIN // DEPTH, step, 0)
    for i in range(DEPTH):
        t0 = NWIN - DEPTH + i
        pltpu.make_async_copy(
            gbs[t0 % DEPTH], agg_s.at[sd_v.at[t0, pl.ds(WIN, WIN)]],
            ssems[t0 % DEPTH]).wait()
    plsc.subcore_barrier()

    @pl.when(c == 0)
    def _():
        pltpu.sync_copy(agg_s.at[pl.ds(s * RPT, RPT)], out0.at[pl.ds(s * RPT, RPT)])

    @pl.when(c == 1)
    def _():
        pltpu.sync_copy(agg_s.at[pl.ds(s * RPT, RPT)], out1.at[pl.ds(s * RPT, RPT)])


@functools.partial(
    pl.kernel,
    out_type=jax.ShapeDtypeStruct((NW, NP), jnp.float32),
    mesh=_mesh,
    scratch_types=[
        pltpu.MemorySpace.VMEM((EPT,), jnp.int32),
        pltpu.MemorySpace.VMEM((EPT,), jnp.int32),
        pltpu.MemorySpace.VMEM((NP,), jnp.float32),
        pltpu.MemorySpace.VMEM((NP,), jnp.float32),
    ],
    compiler_params=pltpu.CompilerParams(needs_layout_passes=False),
)
def _scal_kernel(gz_hbm, src_hbm, dst_hbm, out, src_v, dst_v, gz_v, acc_v):
    c = lax.axis_index("c")
    s = lax.axis_index("s")
    w = c * NT + s

    _zero_1d(acc_v, NP)
    pltpu.sync_copy(gz_hbm, gz_v)
    pltpu.sync_copy(src_hbm.at[pl.ds(w * EPT, EPT)], src_v)
    pltpu.sync_copy(dst_hbm.at[pl.ds(w * EPT, EPT)], dst_v)

    def body(i, _):
        si = src_v[pl.ds(i * VL, VL)]
        di = dst_v[pl.ds(i * VL, VL)]
        v = plsc.load_gather(gz_v, [si])
        plsc.addupdate_scatter(acc_v, [di], v)
        return 0
    lax.fori_loop(0, EPT // VL, body, 0)

    pltpu.sync_copy(acc_v, out.at[w])


BR = 2048


def _tc1_body(x_ref, w1_ref, dp_ref, g_ref, dinv_ref):
    deg = jnp.sum(dp_ref[...], axis=0) + 1.0
    dinv = lax.rsqrt(jnp.maximum(deg, 1e-12))
    h = jnp.dot(x_ref[...], w1_ref[...], preferred_element_type=jnp.float32)
    g_ref[...] = h * dinv[:, None]
    dinv_ref[...] = dinv


_tc1 = pl.pallas_call(
    _tc1_body,
    grid=(NP // BR,),
    in_specs=[
        pl.BlockSpec((BR, D), lambda i: (i, 0)),
        pl.BlockSpec((D, H1), lambda i: (0, 0)),
        pl.BlockSpec((NW, BR), lambda i: (0, i)),
    ],
    out_specs=[
        pl.BlockSpec((BR, H1), lambda i: (i, 0)),
        pl.BlockSpec((BR,), lambda i: (i,)),
    ],
    out_shape=[
        jax.ShapeDtypeStruct((NP, H1), jnp.float32),
        jax.ShapeDtypeStruct((NP,), jnp.float32),
    ],
)


def _tc2_body(a0_ref, a1_ref, g_ref, dinv_ref, b1_ref, w2_ref, wl_ref, gz_ref):
    dinv = dinv_ref[...]
    pre = (a0_ref[...] + a1_ref[...] + g_ref[...]) * dinv[:, None] + b1_ref[...]
    out1 = jnp.maximum(pre, 0.0)
    cvec = jnp.dot(w2_ref[...], wl_ref[...], preferred_element_type=jnp.float32)
    z = jnp.dot(out1, cvec, preferred_element_type=jnp.float32)
    gz_ref[...] = z[:, 0] * dinv


_tc2 = pl.pallas_call(
    _tc2_body,
    grid=(NP // BR,),
    in_specs=[
        pl.BlockSpec((BR, H1), lambda i: (i, 0)),
        pl.BlockSpec((BR, H1), lambda i: (i, 0)),
        pl.BlockSpec((BR, H1), lambda i: (i, 0)),
        pl.BlockSpec((BR,), lambda i: (i,)),
        pl.BlockSpec((1, H1), lambda i: (0, 0)),
        pl.BlockSpec((H1, 64), lambda i: (0, 0)),
        pl.BlockSpec((64, 1), lambda i: (0, 0)),
    ],
    out_specs=pl.BlockSpec((BR,), lambda i: (i,)),
    out_shape=jax.ShapeDtypeStruct((NP,), jnp.float32),
)


def _tc3_body(zp_ref, gz_ref, dinv_ref, b2_ref, wlf_ref, bl_ref, o_ref):
    z = jnp.sum(zp_ref[...], axis=0)
    const = jnp.sum(b2_ref[...] * wlf_ref[...]) + bl_ref[0]
    o_ref[...] = dinv_ref[...] * (z + gz_ref[...]) + const


_tc3 = pl.pallas_call(
    _tc3_body,
    grid=(1,),
    in_specs=[
        pl.BlockSpec((NW, NP), lambda i: (0, 0)),
        pl.BlockSpec((NP,), lambda i: (0,)),
        pl.BlockSpec((NP,), lambda i: (0,)),
        pl.BlockSpec((64,), lambda i: (0,)),
        pl.BlockSpec((64,), lambda i: (0,)),
        pl.BlockSpec((1,), lambda i: (0,)),
    ],
    out_specs=pl.BlockSpec((NP,), lambda i: (0,)),
    out_shape=jax.ShapeDtypeStruct((NP,), jnp.float32),
)


def kernel(x, edge_index, W1, b1, W2, b2, Wl, bl):
    src = edge_index[0].astype(jnp.int32)
    dst = edge_index[1].astype(jnp.int32)
    pad_pos = N + (jnp.arange(EP - E, dtype=jnp.int32) % (NP - N))
    src_f = jnp.concatenate([src, pad_pos])
    dst_f = jnp.concatenate([dst, pad_pos])
    sd2d = jnp.concatenate(
        [src_f.reshape(EP // WIN, WIN), dst_f.reshape(EP // WIN, WIN)], axis=1)
    xp = jnp.pad(x, ((0, NP - N), (0, 0)))

    dparts = _deg_kernel(dst_f)
    g, dinv = _tc1(xp, W1, dparts)
    a0, a1 = _agg_kernel(g, sd2d)
    gz = _tc2(a0, a1, g, dinv, b1.reshape(1, H1), W2, Wl)
    zparts = _scal_kernel(gz, src_f, dst_f)
    out = _tc3(zparts, gz, dinv, b2, Wl[:, 0], bl)
    return out[:N]

# --- scband reference (transcript-rebuilt; emitter-appended) ---
"""Pipeline reference for scband-net-84911503442676 (READ-ONLY COPY).

The authoritative reference and input builder live on the scoring server;
editing this copy changes nothing except your own understanding.
"""

import jax, jax.numpy as jnp
import numpy as np

N = 10000
E = 160000
D = 256
H1 = 128
H2 = 64


def setup_inputs(seed: int = 0) -> dict:
    key = jax.random.key(seed)
    ks = jax.random.split(key, 8)
    x = jax.random.normal(ks[0], (N, D), dtype=jnp.float32)
    edge_index = jax.random.randint(ks[1], (2, E), 0, N).astype(jnp.int64)
    W1 = jax.random.normal(ks[2], (D, H1), dtype=jnp.float32) * (1.0 / np.sqrt(D))
    b1 = jnp.zeros((H1,), dtype=jnp.float32)
    W2 = jax.random.normal(ks[3], (H1, H2), dtype=jnp.float32) * (1.0 / np.sqrt(H1))
    b2 = jnp.zeros((H2,), dtype=jnp.float32)
    Wl = jax.random.normal(ks[4], (H2, 1), dtype=jnp.float32) * (1.0 / np.sqrt(H2))
    bl = jnp.zeros((1,), dtype=jnp.float32)
    return {"x": x, "edge_index": edge_index, "W1": W1, "b1": b1, "W2": W2, "b2": b2, "Wl": Wl, "bl": bl}


def gcn_conv(x, edge_index, W, b):
    # GCNConv: x' = D^{-1/2} (A + I) D^{-1/2} X W + b  (add_self_loops=True, edge_weight=1)
    n = x.shape[0]
    loop = jnp.arange(n, dtype=edge_index.dtype)
    src = jnp.concatenate([edge_index[0], loop])
    dst = jnp.concatenate([edge_index[1], loop])
    deg = jnp.zeros((n,), dtype=x.dtype).at[dst].add(1.0)
    dinv = jnp.where(deg > 0, jax.lax.rsqrt(jnp.maximum(deg, 1e-12)), 0.0)
    norm = dinv[src] * dinv[dst]
    h = x @ W
    msgs = h[src] * norm[:, None]
    out = jnp.zeros((n, W.shape[1]), dtype=x.dtype).at[dst].add(msgs)
    return out + b


def reference(x, edge_index, W1, b1, W2, b2, Wl, bl):
    h = jax.nn.relu(gcn_conv(x, edge_index, W1, b1))
    # F.dropout(training=self.training): identity in eval mode
    h = gcn_conv(h, edge_index, W2, b2)
    out = h @ Wl + bl
    return out.reshape(-1)

if __name__ == "__main__":
    import jax
    _d = setup_inputs()
    print(jax.jit(kernel)(*tuple(_d.values())))

</pallas_src>

<mosaic_0001>
#map = affine_map<(d0, d1) -> (0, 0)>
module attributes {stable_mosaic.version = 14 : i64} {
  func.func @_agg_kernel(%arg0: i32, %arg1: i32, %arg2: memref<10240x128xf32, #tpu.memory_space<hbm>>, %arg3: memref<2560x128xi32, #tpu.memory_space<hbm>>, %arg4: memref<10240x128xf32, #tpu.memory_space<hbm>>, %arg5: memref<10240x128xf32, #tpu.memory_space<hbm>>, %arg6: memref<80x128xi32, #tpu.memory_space<vmem>>, %arg7: memref<64x128xf32, #tpu.memory_space<vmem>>, %arg8: memref<64x128xf32, #tpu.memory_space<vmem>>, %arg9: memref<64x128xf32, #tpu.memory_space<vmem>>, %arg10: memref<64x128xf32, #tpu.memory_space<vmem>>, %arg11: memref<10240x128xf32, #tpu.memory_space<vmem_shared>>, %arg12: memref<!tpu.dma_semaphore, #tpu.memory_space<semaphore_mem>>, %arg13: memref<!tpu.dma_semaphore, #tpu.memory_space<semaphore_mem>>, %arg14: memref<!tpu.dma_semaphore, #tpu.memory_space<semaphore_mem>>, %arg15: memref<!tpu.dma_semaphore, #tpu.memory_space<semaphore_mem>>, %arg16: memref<!tpu.dma_semaphore, #tpu.memory_space<semaphore_mem>>, %arg17: memref<!tpu.dma_semaphore, #tpu.memory_space<semaphore_mem>>, %arg18: memref<!tpu.dma_semaphore, #tpu.memory_space<semaphore_mem>>, %arg19: memref<!tpu.dma_semaphore, #tpu.memory_space<semaphore_mem>>) attributes {dimension_semantics = [#tpu.dimension_semantics<core_parallel>, #tpu.dimension_semantics<subcore_parallel>], iteration_bounds = array<i64: 2, 16>, scalar_prefetch = 0 : i64, scratch_operands = 14 : i64, tpu.core_type = #tpu.core_type<sc_vector_subcore>, window_params = [{transform_indices = #map}, {transform_indices = #map}, {transform_indices = #map}, {transform_indices = #map}]} {
    %mul3A = arith.constant 16 : i32
    %mul3A_0 = arith.muli %arg0, %mul3A : i32
    %add3A = arith.addi %mul3A_0, %arg1 : i32
    %scan3A = arith.constant 0 : i32
    %scan3A_1 = arith.constant 0 : i32
    %scan3A_2 = arith.constant 64 : i32
    %scan3A_3 = arith.addi %scan3A_1, %scan3A_2 : i32
    %scan3A_4 = arith.constant 1 : i32
    %scan3A_5 = scf.for %scan3A_118 = %scan3A_1 to %scan3A_3 step %scan3A_4 iter_args(%scan3A_119 = %scan3A) -> (i32)  : i32 {
      %broadcast_in_dim3A = arith.constant 0.000000e+00 : f32
      %broadcast_in_dim3A_120 = vector.broadcast %broadcast_in_dim3A : f32 to vector<16xf32>
      %swap3A = arith.index_cast %scan3A_118 : i32 to index
      %swap3A_121 = arith.constant 0 : index
      %swap3A_122 = tpu.vector_load %arg7[%swap3A, %swap3A_121] {strides = array<i32>} : memref<64x128xf32, #tpu.memory_space<vmem>>, vector<1x16xf32>,
      %swap3A_123 = vector.shape_cast %swap3A_122 : vector<1x16xf32> to vector<16xf32>
      %swap3A_124 = vector.shape_cast %broadcast_in_dim3A_120 : vector<16xf32> to vector<1x16xf32>
      tpu.vector_store %arg7[%swap3A, %swap3A_121], %swap3A_124 {strides = array<i32>} : memref<64x128xf32, #tpu.memory_space<vmem>>, vector<1x16xf32>,
      %broadcast_in_dim3A_125 = arith.constant 0.000000e+00 : f32
      %broadcast_in_dim3A_126 = vector.broadcast %broadcast_in_dim3A_125 : f32 to vector<16xf32>
      %swap3A_127 = arith.index_cast %scan3A_118 : i32 to index
      %swap3A_128 = arith.constant 16 : index
      %swap3A_129 = tpu.vector_load %arg7[%swap3A_127, %swap3A_128] {strides = array<i32>} : memref<64x128xf32, #tpu.memory_space<vmem>>, vector<1x16xf32>,
      %swap3A_130 = vector.shape_cast %swap3A_129 : vector<1x16xf32> to vector<16xf32>
      %swap3A_131 = vector.shape_cast %broadcast_in_dim3A_126 : vector<16xf32> to vector<1x16xf32>
      tpu.vector_store %arg7[%swap3A_127, %swap3A_128], %swap3A_131 {strides = array<i32>} : memref<64x128xf32, #tpu.memory_space<vmem>>, vector<1x16xf32>,
      %broadcast_in_dim3A_132 = arith.constant 0.000000e+00 : f32
      %broadcast_in_dim3A_133 = vector.broadcast %broadcast_in_dim3A_132 : f32 to vector<16xf32>
      %swap3A_134 = arith.index_cast %scan3A_118 : i32 to index
      %swap3A_135 = arith.constant 32 : index
      %swap3A_136 = tpu.vector_load %arg7[%swap3A_134, %swap3A_135] {strides = array<i32>} : memref<64x128xf32, #tpu.memory_space<vmem>>, vector<1x16xf32>,
      %swap3A_137 = vector.shape_cast %swap3A_136 : vector<1x16xf32> to vector<16xf32>
      %swap3A_138 = vector.shape_cast %broadcast_in_dim3A_133 : vector<16xf32> to vector<1x16xf32>
      tpu.vector_store %arg7[%swap3A_134, %swap3A_135], %swap3A_138 {strides = array<i32>} : memref<64x128xf32, #tpu.memory_space<vmem>>, vector<1x16xf32>,
      %broadcast_in_dim3A_139 = arith.constant 0.000000e+00 : f32
      %broadcast_in_dim3A_140 = vector.broadcast %broadcast_in_dim3A_139 : f32 to vector<16xf32>
      %swap3A_141 = arith.index_cast %scan3A_118 : i32 to index
      %swap3A_142 = arith.constant 48 : index
      %swap3A_143 = tpu.vector_load %arg7[%swap3A_141, %swap3A_142] {strides = array<i32>} : memref<64x128xf32, #tpu.memory_space<vmem>>, vector<1x16xf32>,
      %swap3A_144 = vector.shape_cast %swap3A_143 : vector<1x16xf32> to vector<16xf32>
      %swap3A_145 = vector.shape_cast %broadcast_in_dim3A_140 : vector<16xf32> to vector<1x16xf32>
      tpu.vector_store %arg7[%swap3A_141, %swap3A_142], %swap3A_145 {strides = array<i32>} : memref<64x128xf32, #tpu.memory_space<vmem>>, vector<1x16xf32>,
      %broadcast_in_dim3A_146 = arith.constant 0.000000e+00 : f32
      %broadcast_in_dim3A_147 = vector.broadcast %broadcast_in_dim3A_146 : f32 to vector<16xf32>
      %swap3A_148 = arith.index_cast %scan3A_118 : i32 to index
      %swap3A_149 = arith.constant 64 : index
      %swap3A_150 = tpu.vector_load %arg7[%swap3A_148, %swap3A_149] {strides = array<i32>} : memref<64x128xf32, #tpu.memory_space<vmem>>, vector<1x16xf32>,
      %swap3A_151 = vector.shape_cast %swap3A_150 : vector<1x16xf32> to vector<16xf32>
      %swap3A_152 = vector.shape_cast %broadcast_in_dim3A_147 : vector<16xf32> to vector<1x16xf32>
      tpu.vector_store %arg7[%swap3A_148, %swap3A_149], %swap3A_152 {strides = array<i32>} : memref<64x128xf32, #tpu.memory_space<vmem>>, vector<1x16xf32>,
      %broadcast_in_dim3A_153 = arith.constant 0.000000e+00 : f32
      %broadcast_in_dim3A_154 = vector.broadcast %broadcast_in_dim3A_153 : f32 to vector<16xf32>
      %swap3A_155 = arith.index_cast %scan3A_118 : i32 to index
      %swap3A_156 = arith.constant 80 : index
      %swap3A_157 = tpu.vector_load %arg7[%swap3A_155, %swap3A_156] {strides = array<i32>} : memref<64x128xf32, #tpu.memory_space<vmem>>, vector<1x16xf32>,
      %swap3A_158 = vector.shape_cast %swap3A_157 : vector<1x16xf32> to vector<16xf32>
      %swap3A_159 = vector.shape_cast %broadcast_in_dim3A_154 : vector<16xf32> to vector<1x16xf32>
      tpu.vector_store %arg7[%swap3A_155, %swap3A_156], %swap3A_159 {strides = array<i32>} : memref<64x128xf32, #tpu.memory_space<vmem>>, vector<1x16xf32>,
      %broadcast_in_dim3A_160 = arith.constant 0.000000e+00 : f32
      %broadcast_in_dim3A_161 = vector.broadcast %broadcast_in_dim3A_160 : f32 to vector<16xf32>
      %swap3A_162 = arith.index_cast %scan3A_118 : i32 to index
      %swap3A_163 = arith.constant 96 : index
      %swap3A_164 = tpu.vector_load %arg7[%swap3A_162, %swap3A_163] {strides = array<i32>} : memref<64x128xf32, #tpu.memory_space<vmem>>, vector<1x16xf32>,
      %swap3A_165 = vector.shape_cast %swap3A_164 : vector<1x16xf32> to vector<16xf32>
      %swap3A_166 = vector.shape_cast %broadcast_in_dim3A_161 : vector<16xf32> to vector<1x16xf32>
      tpu.vector_store %arg7[%swap3A_162, %swap3A_163], %swap3A_166 {strides = array<i32>} : memref<64x128xf32, #tpu.memory_space<vmem>>, vector<1x16xf32>,
      %broadcast_in_dim3A_167 = arith.constant 0.000000e+00 : f32
      %broadcast_in_dim3A_168 = vector.broadcast %broadcast_in_dim3A_167 : f32 to vector<16xf32>
      %swap3A_169 = arith.index_cast %scan3A_118 : i32 to index
      %swap3A_170 = arith.constant 112 : index
      %swap3A_171 = tpu.vector_load %arg7[%swap3A_169, %swap3A_170] {strides = array<i32>} : memref<64x128xf32, #tpu.memory_space<vmem>>, vector<1x16xf32>,
      %swap3A_172 = vector.shape_cast %swap3A_171 : vector<1x16xf32> to vector<16xf32>
      %swap3A_173 = vector.shape_cast %broadcast_in_dim3A_168 : vector<16xf32> to vector<1x16xf32>
      tpu.vector_store %arg7[%swap3A_169, %swap3A_170], %swap3A_173 {strides = array<i32>} : memref<64x128xf32, #tpu.memory_space<vmem>>, vector<1x16xf32>,
      %scan3A_174 = arith.constant 0 : i32
      scf.yield %scan3A_174 : i32
    }
    %scan3A_6 = arith.constant 64 : i32
    %mul3A_7 = arith.constant 640 : i32
    %mul3A_8 = arith.muli %arg1, %mul3A_7 : i32
    %add3A_9 = arith.constant 0 : i32
    %add3A_10 = arith.addi %mul3A_8, %add3A_9 : i32
    "tpu.region"() ({
      %run_scoped3A = tpu.sem_alloc : memref<!tpu.dma_semaphore, #tpu.memory_space<semaphore_mem>>
      %dma_start3A_118 = arith.constant 0 : i32
      %dma_start3A_119 = tpu.memref_slice %arg11[%add3A_10, %dma_start3A_118] : memref<10240x128xf32, #tpu.memory_space<vmem_shared>> -> memref<64x128xf32, #tpu.memory_space<vmem_shared>>
      %dma_start3A_120 = arith.constant 0 : i32
      %dma_start3A_121 = tpu.memref_slice %arg11[%add3A_10, %dma_start3A_120] : memref<10240x128xf32, #tpu.memory_space<vmem_shared>> -> memref<64x128xf32, #tpu.memory_space<vmem_shared>>
      tpu.enqueue_dma source(%arg7 : memref<64x128xf32, #tpu.memory_space<vmem>>) target(%dma_start3A_121 : memref<64x128xf32, #tpu.memory_space<vmem_shared>>) target_semaphore(%run_scoped3A : memref<!tpu.dma_semaphore, #tpu.memory_space<semaphore_mem>>)
      %dma_wait3A_122 = arith.constant 0 : i32
      %dma_wait3A_123 = tpu.memref_slice %arg11[%add3A_10, %dma_wait3A_122] : memref<10240x128xf32, #tpu.memory_space<vmem_shared>> -> memref<64x128xf32, #tpu.memory_space<vmem_shared>>
      %dma_wait3A_124 = arith.constant 0 : i32
      %dma_wait3A_125 = tpu.memref_slice %arg11[%add3A_10, %dma_wait3A_124] : memref<10240x128xf32, #tpu.memory_space<vmem_shared>> -> memref<64x128xf32, #tpu.memory_space<vmem_shared>>
      tpu.wait_dma2 semaphore(%run_scoped3A : memref<!tpu.dma_semaphore, #tpu.memory_space<semaphore_mem>>) src(%arg7 : memref<64x128xf32, #tpu.memory_space<vmem>>) dst(%dma_wait3A_125 : memref<64x128xf32, #tpu.memory_space<vmem_shared>>)
      tpu.yield
    }) : () -> ()
    %mul3A_11 = arith.constant 640 : i32
    %mul3A_12 = arith.muli %arg1, %mul3A_11 : i32
    %add3A_13 = arith.constant 64 : i32
    %add3A_14 = arith.addi %mul3A_12, %add3A_13 : i32
    "tpu.region"() ({
      %run_scoped3A = tpu.sem_alloc : memref<!tpu.dma_semaphore, #tpu.memory_space<semaphore_mem>>
      %dma_start3A_118 = arith.constant 0 : i32
      %dma_start3A_119 = tpu.memref_slice %arg11[%add3A_14, %dma_start3A_118] : memref<10240x128xf32, #tpu.memory_space<vmem_shared>> -> memref<64x128xf32, #tpu.memory_space<vmem_shared>>
      %dma_start3A_120 = arith.constant 0 : i32
      %dma_start3A_121 = tpu.memref_slice %arg11[%add3A_14, %dma_start3A_120] : memref<10240x128xf32, #tpu.memory_space<vmem_shared>> -> memref<64x128xf32, #tpu.memory_space<vmem_shared>>
      tpu.enqueue_dma source(%arg7 : memref<64x128xf32, #tpu.memory_space<vmem>>) target(%dma_start3A_121 : memref<64x128xf32, #tpu.memory_space<vmem_shared>>) target_semaphore(%run_scoped3A : memref<!tpu.dma_semaphore, #tpu.memory_space<semaphore_mem>>)
      %dma_wait3A_122 = arith.constant 0 : i32
      %dma_wait3A_123 = tpu.memref_slice %arg11[%add3A_14, %dma_wait3A_122] : memref<10240x128xf32, #tpu.memory_space<vmem_shared>> -> memref<64x128xf32, #tpu.memory_space<vmem_shared>>
      %dma_wait3A_124 = arith.constant 0 : i32
      %dma_wait3A_125 = tpu.memref_slice %arg11[%add3A_14, %dma_wait3A_124] : memref<10240x128xf32, #tpu.memory_space<vmem_shared>> -> memref<64x128xf32, #tpu.memory_space<vmem_shared>>
      tpu.wait_dma2 semaphore(%run_scoped3A : memref<!tpu.dma_semaphore, #tpu.memory_space<semaphore_mem>>) src(%arg7 : memref<64x128xf32, #tpu.memory_space<vmem>>) dst(%dma_wait3A_125 : memref<64x128xf32, #tpu.memory_space<vmem_shared>>)
      tpu.yield
    }) : () -> ()
    %mul3A_15 = arith.constant 640 : i32
    %mul3A_16 = arith.muli %arg1, %mul3A_15 : i32
    %add3A_17 = arith.constant 128 : i32
    %add3A_18 = arith.addi %mul3A_16, %add3A_17 : i32
    "tpu.region"() ({
      %run_scoped3A = tpu.sem_alloc : memref<!tpu.dma_semaphore, #tpu.memory_space<semaphore_mem>>
      %dma_start3A_118 = arith.constant 0 : i32
      %dma_start3A_119 = tpu.memref_slice %arg11[%add3A_18, %dma_start3A_118] : memref<10240x128xf32, #tpu.memory_space<vmem_shared>> -> memref<64x128xf32, #tpu.memory_space<vmem_shared>>
      %dma_start3A_120 = arith.constant 0 : i32
      %dma_start3A_121 = tpu.memref_slice %arg11[%add3A_18, %dma_start3A_120] : memref<10240x128xf32, #tpu.memory_space<vmem_shared>> -> memref<64x128xf32, #tpu.memory_space<vmem_shared>>
      tpu.enqueue_dma source(%arg7 : memref<64x128xf32, #tpu.memory_space<vmem>>) target(%dma_start3A_121 : memref<64x128xf32, #tpu.memory_space<vmem_shared>>) target_semaphore(%run_scoped3A : memref<!tpu.dma_semaphore, #tpu.memory_space<semaphore_mem>>)
      %dma_wait3A_122 = arith.constant 0 : i32
      %dma_wait3A_123 = tpu.memref_slice %arg11[%add3A_18, %dma_wait3A_122] : memref<10240x128xf32, #tpu.memory_space<vmem_shared>> -> memref<64x128xf32, #tpu.memory_space<vmem_shared>>
      %dma_wait3A_124 = arith.constant 0 : i32
      %dma_wait3A_125 = tpu.memref_slice %arg11[%add3A_18, %dma_wait3A_124] : memref<10240x128xf32, #tpu.memory_space<vmem_shared>> -> memref<64x128xf32, #tpu.memory_space<vmem_shared>>
      tpu.wait_dma2 semaphore(%run_scoped3A : memref<!tpu.dma_semaphore, #tpu.memory_space<semaphore_mem>>) src(%arg7 : memref<64x128xf32, #tpu.memory_space<vmem>>) dst(%dma_wait3A_125 : memref<64x128xf32, #tpu.memory_space<vmem_shared>>)
      tpu.yield
    }) : () -> ()
    %mul3A_19 = arith.constant 640 : i32
    %mul3A_20 = arith.muli %arg1, %mul3A_19 : i32
    %add3A_21 = arith.constant 192 : i32
    %add3A_22 = arith.addi %mul3A_20, %add3A_21 : i32
    "tpu.region"() ({
      %run_scoped3A = tpu.sem_alloc : memref<!tpu.dma_semaphore, #tpu.memory_space<semaphore_mem>>
      %dma_start3A_118 = arith.constant 0 : i32
      %dma_start3A_119 = tpu.memref_slice %arg11[%add3A_22, %dma_start3A_118] : memref<10240x128xf32, #tpu.memory_space<vmem_shared>> -> memref<64x128xf32, #tpu.memory_space<vmem_shared>>
      %dma_start3A_120 = arith.constant 0 : i32
      %dma_start3A_121 = tpu.memref_slice %arg11[%add3A_22, %dma_start3A_120] : memref<10240x128xf32, #tpu.memory_space<vmem_shared>> -> memref<64x128xf32, #tpu.memory_space<vmem_shared>>
      tpu.enqueue_dma source(%arg7 : memref<64x128xf32, #tpu.memory_space<vmem>>) target(%dma_start3A_121 : memref<64x128xf32, #tpu.memory_space<vmem_shared>>) target_semaphore(%run_scoped3A : memref<!tpu.dma_semaphore, #tpu.memory_space<semaphore_mem>>)
      %dma_wait3A_122 = arith.constant 0 : i32
      %dma_wait3A_123 = tpu.memref_slice %arg11[%add3A_22, %dma_wait3A_122] : memref<10240x128xf32, #tpu.memory_space<vmem_shared>> -> memref<64x128xf32, #tpu.memory_space<vmem_shared>>
      %dma_wait3A_124 = arith.constant 0 : i32
      %dma_wait3A_125 = tpu.memref_slice %arg11[%add3A_22, %dma_wait3A_124] : memref<10240x128xf32, #tpu.memory_space<vmem_shared>> -> memref<64x128xf32, #tpu.memory_space<vmem_shared>>
      tpu.wait_dma2 semaphore(%run_scoped3A : memref<!tpu.dma_semaphore, #tpu.memory_space<semaphore_mem>>) src(%arg7 : memref<64x128xf32, #tpu.memory_space<vmem>>) dst(%dma_wait3A_125 : memref<64x128xf32, #tpu.memory_space<vmem_shared>>)
      tpu.yield
    }) : () -> ()
    %mul3A_23 = arith.constant 640 : i32
    %mul3A_24 = arith.muli %arg1, %mul3A_23 : i32
    %add3A_25 = arith.constant 256 : i32
    %add3A_26 = arith.addi %mul3A_24, %add3A_25 : i32
    "tpu.region"() ({
      %run_scoped3A = tpu.sem_alloc : memref<!tpu.dma_semaphore, #tpu.memory_space<semaphore_mem>>
      %dma_start3A_118 = arith.constant 0 : i32
      %dma_start3A_119 = tpu.memref_slice %arg11[%add3A_26, %dma_start3A_118] : memref<10240x128xf32, #tpu.memory_space<vmem_shared>> -> memref<64x128xf32, #tpu.memory_space<vmem_shared>>
      %dma_start3A_120 = arith.constant 0 : i32
      %dma_start3A_121 = tpu.memref_slice %arg11[%add3A_26, %dma_start3A_120] : memref<10240x128xf32, #tpu.memory_space<vmem_shared>> -> memref<64x128xf32, #tpu.memory_space<vmem_shared>>
      tpu.enqueue_dma source(%arg7 : memref<64x128xf32, #tpu.memory_space<vmem>>) target(%dma_start3A_121 : memref<64x128xf32, #tpu.memory_space<vmem_shared>>) target_semaphore(%run_scoped3A : memref<!tpu.dma_semaphore, #tpu.memory_space<semaphore_mem>>)
      %dma_wait3A_122 = arith.constant 0 : i32
      %dma_wait3A_123 = tpu.memref_slice %arg11[%add3A_26, %dma_wait3A_122] : memref<10240x128xf32, #tpu.memory_space<vmem_shared>> -> memref<64x128xf32, #tpu.memory_space<vmem_shared>>
      %dma_wait3A_124 = arith.constant 0 : i32
      %dma_wait3A_125 = tpu.memref_slice %arg11[%add3A_26, %dma_wait3A_124] : memref<10240x128xf32, #tpu.memory_space<vmem_shared>> -> memref<64x128xf32, #tpu.memory_space<vmem_shared>>
      tpu.wait_dma2 semaphore(%run_scoped3A : memref<!tpu.dma_semaphore, #tpu.memory_space<semaphore_mem>>) src(%arg7 : memref<64x128xf32, #tpu.memory_space<vmem>>) dst(%dma_wait3A_125 : memref<64x128xf32, #tpu.memory_space<vmem_shared>>)
      tpu.yield
    }) : () -> ()
    %mul3A_27 = arith.constant 640 : i32
    %mul3A_28 = arith.muli %arg1, %mul3A_27 : i32
    %add3A_29 = arith.constant 320 : i32
    %add3A_30 = arith.addi %mul3A_28, %add3A_29 : i32
    "tpu.region"() ({
      %run_scoped3A = tpu.sem_alloc : memref<!tpu.dma_semaphore, #tpu.memory_space<semaphore_mem>>
      %dma_start3A_118 = arith.constant 0 : i32
      %dma_start3A_119 = tpu.memref_slice %arg11[%add3A_30, %dma_start3A_118] : memref<10240x128xf32, #tpu.memory_space<vmem_shared>> -> memref<64x128xf32, #tpu.memory_space<vmem_shared>>
      %dma_start3A_120 = arith.constant 0 : i32
      %dma_start3A_121 = tpu.memref_slice %arg11[%add3A_30, %dma_start3A_120] : memref<10240x128xf32, #tpu.memory_space<vmem_shared>> -> memref<64x128xf32, #tpu.memory_space<vmem_shared>>
      tpu.enqueue_dma source(%arg7 : memref<64x128xf32, #tpu.memory_space<vmem>>) target(%dma_start3A_121 : memref<64x128xf32, #tpu.memory_space<vmem_shared>>) target_semaphore(%run_scoped3A : memref<!tpu.dma_semaphore, #tpu.memory_space<semaphore_mem>>)
      %dma_wait3A_122 = arith.constant 0 : i32
      %dma_wait3A_123 = tpu.memref_slice %arg11[%add3A_30, %dma_wait3A_122] : memref<10240x128xf32, #tpu.memory_space<vmem_shared>> -> memref<64x128xf32, #tpu.memory_space<vmem_shared>>
      %dma_wait3A_124 = arith.constant 0 : i32
      %dma_wait3A_125 = tpu.memref_slice %arg11[%add3A_30, %dma_wait3A_124] : memref<10240x128xf32, #tpu.memory_space<vmem_shared>> -> memref<64x128xf32, #tpu.memory_space<vmem_shared>>
      tpu.wait_dma2 semaphore(%run_scoped3A : memref<!tpu.dma_semaphore, #tpu.memory_space<semaphore_mem>>) src(%arg7 : memref<64x128xf32, #tpu.memory_space<vmem>>) dst(%dma_wait3A_125 : memref<64x128xf32, #tpu.memory_space<vmem_shared>>)
      tpu.yield
    }) : () -> ()
    %mul3A_31 = arith.constant 640 : i32
    %mul3A_32 = arith.muli %arg1, %mul3A_31 : i32
    %add3A_33 = arith.constant 384 : i32
    %add3A_34 = arith.addi %mul3A_32, %add3A_33 : i32
    "tpu.region"() ({
      %run_scoped3A = tpu.sem_alloc : memref<!tpu.dma_semaphore, #tpu.memory_space<semaphore_mem>>
      %dma_start3A_118 = arith.constant 0 : i32
      %dma_start3A_119 = tpu.memref_slice %arg11[%add3A_34, %dma_start3A_118] : memref<10240x128xf32, #tpu.memory_space<vmem_shared>> -> memref<64x128xf32, #tpu.memory_space<vmem_shared>>
      %dma_start3A_120 = arith.constant 0 : i32
      %dma_start3A_121 = tpu.memref_slice %arg11[%add3A_34, %dma_start3A_120] : memref<10240x128xf32, #tpu.memory_space<vmem_shared>> -> memref<64x128xf32, #tpu.memory_space<vmem_shared>>
      tpu.enqueue_dma source(%arg7 : memref<64x128xf32, #tpu.memory_space<vmem>>) target(%dma_start3A_121 : memref<64x128xf32, #tpu.memory_space<vmem_shared>>) target_semaphore(%run_scoped3A : memref<!tpu.dma_semaphore, #tpu.memory_space<semaphore_mem>>)
      %dma_wait3A_122 = arith.constant 0 : i32
      %dma_wait3A_123 = tpu.memref_slice %arg11[%add3A_34, %dma_wait3A_122] : memref<10240x128xf32, #tpu.memory_space<vmem_shared>> -> memref<64x128xf32, #tpu.memory_space<vmem_shared>>
      %dma_wait3A_124 = arith.constant 0 : i32
      %dma_wait3A_125 = tpu.memref_slice %arg11[%add3A_34, %dma_wait3A_124] : memref<10240x128xf32, #tpu.memory_space<vmem_shared>> -> memref<64x128xf32, #tpu.memory_space<vmem_shared>>
      tpu.wait_dma2 semaphore(%run_scoped3A : memref<!tpu.dma_semaphore, #tpu.memory_space<semaphore_mem>>) src(%arg7 : memref<64x128xf32, #tpu.memory_space<vmem>>) dst(%dma_wait3A_125 : memref<64x128xf32, #tpu.memory_space<vmem_shared>>)
      tpu.yield
    }) : () -> ()
    %mul3A_35 = arith.constant 640 : i32
    %mul3A_36 = arith.muli %arg1, %mul3A_35 : i32
    %add3A_37 = arith.constant 448 : i32
    %add3A_38 = arith.addi %mul3A_36, %add3A_37 : i32
    "tpu.region"() ({
      %run_scoped3A = tpu.sem_alloc : memref<!tpu.dma_semaphore, #tpu.memory_space<semaphore_mem>>
      %dma_start3A_118 = arith.constant 0 : i32
      %dma_start3A_119 = tpu.memref_slice %arg11[%add3A_38, %dma_start3A_118] : memref<10240x128xf32, #tpu.memory_space<vmem_shared>> -> memref<64x128xf32, #tpu.memory_space<vmem_shared>>
      %dma_start3A_120 = arith.constant 0 : i32
      %dma_start3A_121 = tpu.memref_slice %arg11[%add3A_38, %dma_start3A_120] : memref<10240x128xf32, #tpu.memory_space<vmem_shared>> -> memref<64x128xf32, #tpu.memory_space<vmem_shared>>
      tpu.enqueue_dma source(%arg7 : memref<64x128xf32, #tpu.memory_space<vmem>>) target(%dma_start3A_121 : memref<64x128xf32, #tpu.memory_space<vmem_shared>>) target_semaphore(%run_scoped3A : memref<!tpu.dma_semaphore, #tpu.memory_space<semaphore_mem>>)
      %dma_wait3A_122 = arith.constant 0 : i32
      %dma_wait3A_123 = tpu.memref_slice %arg11[%add3A_38, %dma_wait3A_122] : memref<10240x128xf32, #tpu.memory_space<vmem_shared>> -> memref<64x128xf32, #tpu.memory_space<vmem_shared>>
      %dma_wait3A_124 = arith.constant 0 : i32
      %dma_wait3A_125 = tpu.memref_slice %arg11[%add3A_38, %dma_wait3A_124] : memref<10240x128xf32, #tpu.memory_space<vmem_shared>> -> memref<64x128xf32, #tpu.memory_space<vmem_shared>>
      tpu.wait_dma2 semaphore(%run_scoped3A : memref<!tpu.dma_semaphore, #tpu.memory_space<semaphore_mem>>) src(%arg7 : memref<64x128xf32, #tpu.memory_space<vmem>>) dst(%dma_wait3A_125 : memref<64x128xf32, #tpu.memory_space<vmem_shared>>)
      tpu.yield
    }) : () -> ()
    %mul3A_39 = arith.constant 640 : i32
    %mul3A_40 = arith.muli %arg1, %mul3A_39 : i32
    %add3A_41 = arith.constant 512 : i32
    %add3A_42 = arith.addi %mul3A_40, %add3A_41 : i32
    "tpu.region"() ({
      %run_scoped3A = tpu.sem_alloc : memref<!tpu.dma_semaphore, #tpu.memory_space<semaphore_mem>>
      %dma_start3A_118 = arith.constant 0 : i32
      %dma_start3A_119 = tpu.memref_slice %arg11[%add3A_42, %dma_start3A_118] : memref<10240x128xf32, #tpu.memory_space<vmem_shared>> -> memref<64x128xf32, #tpu.memory_space<vmem_shared>>
      %dma_start3A_120 = arith.constant 0 : i32
      %dma_start3A_121 = tpu.memref_slice %arg11[%add3A_42, %dma_start3A_120] : memref<10240x128xf32, #tpu.memory_space<vmem_shared>> -> memref<64x128xf32, #tpu.memory_space<vmem_shared>>
      tpu.enqueue_dma source(%arg7 : memref<64x128xf32, #tpu.memory_space<vmem>>) target(%dma_start3A_121 : memref<64x128xf32, #tpu.memory_space<vmem_shared>>) target_semaphore(%run_scoped3A : memref<!tpu.dma_semaphore, #tpu.memory_space<semaphore_mem>>)
      %dma_wait3A_122 = arith.constant 0 : i32
      %dma_wait3A_123 = tpu.memref_slice %arg11[%add3A_42, %dma_wait3A_122] : memref<10240x128xf32, #tpu.memory_space<vmem_shared>> -> memref<64x128xf32, #tpu.memory_space<vmem_shared>>
      %dma_wait3A_124 = arith.constant 0 : i32
      %dma_wait3A_125 = tpu.memref_slice %arg11[%add3A_42, %dma_wait3A_124] : memref<10240x128xf32, #tpu.memory_space<vmem_shared>> -> memref<64x128xf32, #tpu.memory_space<vmem_shared>>
      tpu.wait_dma2 semaphore(%run_scoped3A : memref<!tpu.dma_semaphore, #tpu.memory_space<semaphore_mem>>) src(%arg7 : memref<64x128xf32, #tpu.memory_space<vmem>>) dst(%dma_wait3A_125 : memref<64x128xf32, #tpu.memory_space<vmem_shared>>)
      tpu.yield
    }) : () -> ()
    %mul3A_43 = arith.constant 640 : i32
    %mul3A_44 = arith.muli %arg1, %mul3A_43 : i32
    %add3A_45 = arith.constant 576 : i32
    %add3A_46 = arith.addi %mul3A_44, %add3A_45 : i32
    "tpu.region"() ({
      %run_scoped3A = tpu.sem_alloc : memref<!tpu.dma_semaphore, #tpu.memory_space<semaphore_mem>>
      %dma_start3A_118 = arith.constant 0 : i32
      %dma_start3A_119 = tpu.memref_slice %arg11[%add3A_46, %dma_start3A_118] : memref<10240x128xf32, #tpu.memory_space<vmem_shared>> -> memref<64x128xf32, #tpu.memory_space<vmem_shared>>
      %dma_start3A_120 = arith.constant 0 : i32
      %dma_start3A_121 = tpu.memref_slice %arg11[%add3A_46, %dma_start3A_120] : memref<10240x128xf32, #tpu.memory_space<vmem_shared>> -> memref<64x128xf32, #tpu.memory_space<vmem_shared>>
      tpu.enqueue_dma source(%arg7 : memref<64x128xf32, #tpu.memory_space<vmem>>) target(%dma_start3A_121 : memref<64x128xf32, #tpu.memory_space<vmem_shared>>) target_semaphore(%run_scoped3A : memref<!tpu.dma_semaphore, #tpu.memory_space<semaphore_mem>>)
      %dma_wait3A_122 = arith.constant 0 : i32
      %dma_wait3A_123 = tpu.memref_slice %arg11[%add3A_46, %dma_wait3A_122] : memref<10240x128xf32, #tpu.memory_space<vmem_shared>> -> memref<64x128xf32, #tpu.memory_space<vmem_shared>>
      %dma_wait3A_124 = arith.constant 0 : i32
      %dma_wait3A_125 = tpu.memref_slice %arg11[%add3A_46, %dma_wait3A_124] : memref<10240x128xf32, #tpu.memory_space<vmem_shared>> -> memref<64x128xf32, #tpu.memory_space<vmem_shared>>
      tpu.wait_dma2 semaphore(%run_scoped3A : memref<!tpu.dma_semaphore, #tpu.memory_space<semaphore_mem>>) src(%arg7 : memref<64x128xf32, #tpu.memory_space<vmem>>) dst(%dma_wait3A_125 : memref<64x128xf32, #tpu.memory_space<vmem_shared>>)
      tpu.yield
    }) : () -> ()
    %mul3A_47 = arith.constant 80 : i32
    %mul3A_48 = arith.muli %add3A, %mul3A_47 : i32
    "tpu.region"() ({
      %run_scoped3A = tpu.sem_alloc : memref<!tpu.dma_semaphore, #tpu.memory_space<semaphore_mem>>
      %dma_start3A_118 = arith.constant 0 : i32
      %dma_start3A_119 = tpu.memref_slice %arg3[%mul3A_48, %dma_start3A_118] : memref<2560x128xi32, #tpu.memory_space<hbm>> -> memref<80x128xi32, #tpu.memory_space<hbm>>
      %dma_start3A_120 = arith.constant 0 : i32
      %dma_start3A_121 = tpu.memref_slice %arg3[%mul3A_48, %dma_start3A_120] : memref<2560x128xi32, #tpu.memory_space<hbm>> -> memref<80x128xi32, #tpu.memory_space<hbm>>
      tpu.enqueue_dma source(%dma_start3A_121 : memref<80x128xi32, #tpu.memory_space<hbm>>) target(%arg6 : memref<80x128xi32, #tpu.memory_space<vmem>>) target_semaphore(%run_scoped3A : memref<!tpu.dma_semaphore, #tpu.memory_space<semaphore_mem>>)
      %dma_wait3A_122 = arith.constant 0 : i32
      %dma_wait3A_123 = tpu.memref_slice %arg3[%mul3A_48, %dma_wait3A_122] : memref<2560x128xi32, #tpu.memory_space<hbm>> -> memref<80x128xi32, #tpu.memory_space<hbm>>
      %dma_wait3A_124 = arith.constant 0 : i32
      %dma_wait3A_125 = tpu.memref_slice %arg3[%mul3A_48, %dma_wait3A_124] : memref<2560x128xi32, #tpu.memory_space<hbm>> -> memref<80x128xi32, #tpu.memory_space<hbm>>
      tpu.wait_dma2 semaphore(%run_scoped3A : memref<!tpu.dma_semaphore, #tpu.memory_space<semaphore_mem>>) src(%dma_wait3A_125 : memref<80x128xi32, #tpu.memory_space<hbm>>) dst(%arg6 : memref<80x128xi32, #tpu.memory_space<vmem>>)
      tpu.yield
    }) : () -> ()
    %barrier3A = arith.constant 0 : index
    tpu.barrier barrier_id(%barrier3A)
    %dma_start3A = arith.constant 0 : i32
    %dma_start3A_49 = arith.constant 0 : i32
    %dma_start3A_50 = tpu.memref_slice %arg6[%dma_start3A, %dma_start3A_49] : memref<80x128xi32, #tpu.memory_space<vmem>> -> memref<1x64xi32, #tpu.memory_space<vmem>>
    %dma_start3A_51 = tpu.memref_squeeze %dma_start3A_50 : memref<1x64xi32, #tpu.memory_space<vmem>> -> memref<64xi32, #tpu.memory_space<vmem>>
    %dma_start3A_52 = arith.constant 0 : i32
    %dma_start3A_53 = arith.constant 0 : i32
    %dma_start3A_54 = tpu.memref_slice %arg2[%dma_start3A_52, %dma_start3A_53] : memref<10240x128xf32, #tpu.memory_space<hbm>> -> memref<10240x128xf32, #tpu.memory_space<hbm>>
    tpu.enqueue_indirect_dma source(%dma_start3A_54 : memref<10240x128xf32, #tpu.memory_space<hbm>>) target(%arg7 : memref<64x128xf32, #tpu.memory_space<vmem>>) offsets(%dma_start3A_51 : memref<64xi32, #tpu.memory_space<vmem>>) semaphore(%arg12 : memref<!tpu.dma_semaphore, #tpu.memory_space<semaphore_mem>>)
    %dma_start3A_55 = arith.constant 1 : i32
    %dma_start3A_56 = arith.constant 0 : i32
    %dma_start3A_57 = tpu.memref_slice %arg6[%dma_start3A_55, %dma_start3A_56] : memref<80x128xi32, #tpu.memory_space<vmem>> -> memref<1x64xi32, #tpu.memory_space<vmem>>
    %dma_start3A_58 = tpu.memref_squeeze %dma_start3A_57 : memref<1x64xi32, #tpu.memory_space<vmem>> -> memref<64xi32, #tpu.memory_space<vmem>>
    %dma_start3A_59 = arith.constant 0 : i32
    %dma_start3A_60 = arith.constant 0 : i32
    %dma_start3A_61 = tpu.memref_slice %arg2[%dma_start3A_59, %dma_start3A_60] : memref<10240x128xf32, #tpu.memory_space<hbm>> -> memref<10240x128xf32, #tpu.memory_space<hbm>>
    tpu.enqueue_indirect_dma source(%dma_start3A_61 : memref<10240x128xf32, #tpu.memory_space<hbm>>) target(%arg8 : memref<64x128xf32, #tpu.memory_space<vmem>>) offsets(%dma_start3A_58 : memref<64xi32, #tpu.memory_space<vmem>>) semaphore(%arg13 : memref<!tpu.dma_semaphore, #tpu.memory_space<semaphore_mem>>)
    %dma_start3A_62 = arith.constant 2 : i32
    %dma_start3A_63 = arith.constant 0 : i32
    %dma_start3A_64 = tpu.memref_slice %arg6[%dma_start3A_62, %dma_start3A_63] : memref<80x128xi32, #tpu.memory_space<vmem>> -> memref<1x64xi32, #tpu.memory_space<vmem>>
    %dma_start3A_65 = tpu.memref_squeeze %dma_start3A_64 : memref<1x64xi32, #tpu.memory_space<vmem>> -> memref<64xi32, #tpu.memory_space<vmem>>
    %dma_start3A_66 = arith.constant 0 : i32
    %dma_start3A_67 = arith.constant 0 : i32
    %dma_start3A_68 = tpu.memref_slice %arg2[%dma_start3A_66, %dma_start3A_67] : memref<10240x128xf32, #tpu.memory_space<hbm>> -> memref<10240x128xf32, #tpu.memory_space<hbm>>
    tpu.enqueue_indirect_dma source(%dma_start3A_68 : memref<10240x128xf32, #tpu.memory_space<hbm>>) target(%arg9 : memref<64x128xf32, #tpu.memory_space<vmem>>) offsets(%dma_start3A_65 : memref<64xi32, #tpu.memory_space<vmem>>) semaphore(%arg14 : memref<!tpu.dma_semaphore, #tpu.memory_space<semaphore_mem>>)
    %dma_start3A_69 = arith.constant 3 : i32
    %dma_start3A_70 = arith.constant 0 : i32
    %dma_start3A_71 = tpu.memref_slice %arg6[%dma_start3A_69, %dma_start3A_70] : memref<80x128xi32, #tpu.memory_space<vmem>> -> memref<1x64xi32, #tpu.memory_space<vmem>>
    %dma_start3A_72 = tpu.memref_squeeze %dma_start3A_71 : memref<1x64xi32, #tpu.memory_space<vmem>> -> memref<64xi32, #tpu.memory_space<vmem>>
    %dma_start3A_73 = arith.constant 0 : i32
    %dma_start3A_74 = arith.constant 0 : i32
    %dma_start3A_75 = tpu.memref_slice %arg2[%dma_start3A_73, %dma_start3A_74] : memref<10240x128xf32, #tpu.memory_space<hbm>> -> memref<10240x128xf32, #tpu.memory_space<hbm>>
    tpu.enqueue_indirect_dma source(%dma_start3A_75 : memref<10240x128xf32, #tpu.memory_space<hbm>>) target(%arg10 : memref<64x128xf32, #tpu.memory_space<vmem>>) offsets(%dma_start3A_72 : memref<64xi32, #tpu.memory_space<vmem>>) semaphore(%arg15 : memref<!tpu.dma_semaphore, #tpu.memory_space<semaphore_mem>>)
    %scan3A_76 = arith.constant 0 : i32
    %scan3A_77 = arith.constant 0 : i32
    %scan3A_78 = arith.constant 20 : i32
    %scan3A_79 = arith.addi %scan3A_77, %scan3A_78 : i32
    %scan3A_80 = arith.constant 1 : i32
    %scan3A_81 = scf.for %scan3A_118 = %scan3A_77 to %scan3A_79 step %scan3A_80 iter_args(%scan3A_119 = %scan3A_76) -> (i32)  : i32 {
      %mul3A_120 = arith.constant 4 : i32
      %mul3A_121 = arith.muli %mul3A_120, %scan3A_118 : i32
      %add3A_122 = arith.constant 0 : i32
      %add3A_123 = arith.addi %mul3A_121, %add3A_122 : i32
      %dma_wait3A_124 = arith.constant 0 : i32
      %dma_wait3A_125 = tpu.memref_slice %arg6[%add3A_123, %dma_wait3A_124] : memref<80x128xi32, #tpu.memory_space<vmem>> -> memref<1x64xi32, #tpu.memory_space<vmem>>
      %dma_wait3A_126 = tpu.memref_squeeze %dma_wait3A_125 : memref<1x64xi32, #tpu.memory_space<vmem>> -> memref<64xi32, #tpu.memory_space<vmem>>
      %dma_wait3A_127 = arith.constant 0 : i32
      %dma_wait3A_128 = arith.constant 0 : i32
      %dma_wait3A_129 = tpu.memref_slice %arg2[%dma_wait3A_127, %dma_wait3A_128] : memref<10240x128xf32, #tpu.memory_space<hbm>> -> memref<10240x128xf32, #tpu.memory_space<hbm>>
      tpu.wait_indirect_dma semaphore(%arg12 : memref<!tpu.dma_semaphore, #tpu.memory_space<semaphore_mem>>) src(%dma_wait3A_129 : memref<10240x128xf32, #tpu.memory_space<hbm>>) dst(%arg7 : memref<64x128xf32, #tpu.memory_space<vmem>>)
      %dma_start3A_130 = arith.constant 64 : i32
      %dma_start3A_131 = tpu.memref_slice %arg6[%add3A_123, %dma_start3A_130] : memref<80x128xi32, #tpu.memory_space<vmem>> -> memref<1x64xi32, #tpu.memory_space<vmem>>
      %dma_start3A_132 = tpu.memref_squeeze %dma_start3A_131 : memref<1x64xi32, #tpu.memory_space<vmem>> -> memref<64xi32, #tpu.memory_space<vmem>>
      %dma_start3A_133 = arith.constant 0 : i32
      %dma_start3A_134 = arith.constant 0 : i32
      %dma_start3A_135 = tpu.memref_slice %arg11[%dma_start3A_133, %dma_start3A_134] : memref<10240x128xf32, #tpu.memory_space<vmem_shared>> -> memref<10240x128xf32, #tpu.memory_space<vmem_shared>>
      tpu.enqueue_indirect_dma source(%arg7 : memref<64x128xf32, #tpu.memory_space<vmem>>) target(%dma_start3A_135 : memref<10240x128xf32, #tpu.memory_space<vmem_shared>>) offsets(%dma_start3A_132 : memref<64xi32, #tpu.memory_space<vmem>>) semaphore(%arg16 : memref<!tpu.dma_semaphore, #tpu.memory_space<semaphore_mem>>) {add = true}
      %sub3A = arith.constant 1 : i32
      %sub3A_136 = arith.subi %add3A_123, %sub3A : i32
      %ge3A = arith.constant 0 : i32
      %ge3A_137 = arith.cmpi sge, %sub3A_136, %ge3A : i32
      %add3A_138 = arith.constant 4 : i32
      %add3A_139 = arith.addi %sub3A_136, %add3A_138 : i32
      %lt3A = arith.constant 80 : i32
      %lt3A_140 = arith.cmpi slt, %add3A_139, %lt3A : i32
      %and3A = arith.andi %ge3A_137, %lt3A_140 : i1
      %convert_element_type3A_141 = arith.extui %and3A : i1 to i32
      %cond3A_142 = arith.constant 0 : i32
      %cond3A_143 = arith.cmpi ne, %convert_element_type3A_141, %cond3A_142 : i32
      scf.if %cond3A_143 {
        %dma_wait3A_229 = arith.constant 64 : i32
        %dma_wait3A_230 = tpu.memref_slice %arg6[%sub3A_136, %dma_wait3A_229] : memref<80x128xi32, #tpu.memory_space<vmem>> -> memref<1x64xi32, #tpu.memory_space<vmem>>
        %dma_wait3A_231 = tpu.memref_squeeze %dma_wait3A_230 : memref<1x64xi32, #tpu.memory_space<vmem>> -> memref<64xi32, #tpu.memory_space<vmem>>
        %dma_wait3A_232 = arith.constant 0 : i32
        %dma_wait3A_233 = arith.constant 0 : i32
        %dma_wait3A_234 = tpu.memref_slice %arg11[%dma_wait3A_232, %dma_wait3A_233] : memref<10240x128xf32, #tpu.memory_space<vmem_shared>> -> memref<10240x128xf32, #tpu.memory_space<vmem_shared>>
        tpu.wait_indirect_dma semaphore(%arg19 : memref<!tpu.dma_semaphore, #tpu.memory_space<semaphore_mem>>) src(%arg10 : memref<64x128xf32, #tpu.memory_space<vmem>>) dst(%dma_wait3A_234 : memref<10240x128xf32, #tpu.memory_space<vmem_shared>>)
        %add3A_235 = arith.constant 4 : i32
        %add3A_236 = arith.addi %sub3A_136, %add3A_235 : i32
        %dma_start3A_237 = arith.constant 0 : i32
        %dma_start3A_238 = tpu.memref_slice %arg6[%add3A_236, %dma_start3A_237] : memref<80x128xi32, #tpu.memory_space<vmem>> -> memref<1x64xi32, #tpu.memory_space<vmem>>
        %dma_start3A_239 = tpu.memref_squeeze %dma_start3A_238 : memref<1x64xi32, #tpu.memory_space<vmem>> -> memref<64xi32, #tpu.memory_space<vmem>>
        %dma_start3A_240 = arith.constant 0 : i32
        %dma_start3A_241 = arith.constant 0 : i32
        %dma_start3A_242 = tpu.memref_slice %arg2[%dma_start3A_240, %dma_start3A_241] : memref<10240x128xf32, #tpu.memory_space<hbm>> -> memref<10240x128xf32, #tpu.memory_space<hbm>>
        tpu.enqueue_indirect_dma source(%dma_start3A_242 : memref<10240x128xf32, #tpu.memory_space<hbm>>) target(%arg10 : memref<64x128xf32, #tpu.memory_space<vmem>>) offsets(%dma_start3A_239 : memref<64xi32, #tpu.memory_space<vmem>>) semaphore(%arg15 : memref<!tpu.dma_semaphore, #tpu.memory_space<semaphore_mem>>)
      } else {
      }
      %mul3A_144 = arith.constant 4 : i32
      %mul3A_145 = arith.muli %mul3A_144, %scan3A_118 : i32
      %add3A_146 = arith.constant 1 : i32
      %add3A_147 = arith.addi %mul3A_145, %add3A_146 : i32
      %dma_wait3A_148 = arith.constant 0 : i32
      %dma_wait3A_149 = tpu.memref_slice %arg6[%add3A_147, %dma_wait3A_148] : memref<80x128xi32, #tpu.memory_space<vmem>> -> memref<1x64xi32, #tpu.memory_space<vmem>>
      %dma_wait3A_150 = tpu.memref_squeeze %dma_wait3A_149 : memref<1x64xi32, #tpu.memory_space<vmem>> -> memref<64xi32, #tpu.memory_space<vmem>>
      %dma_wait3A_151 = arith.constant 0 : i32
      %dma_wait3A_152 = arith.constant 0 : i32
      %dma_wait3A_153 = tpu.memref_slice %arg2[%dma_wait3A_151, %dma_wait3A_152] : memref<10240x128xf32, #tpu.memory_space<hbm>> -> memref<10240x128xf32, #tpu.memory_space<hbm>>
      tpu.wait_indirect_dma semaphore(%arg13 : memref<!tpu.dma_semaphore, #tpu.memory_space<semaphore_mem>>) src(%dma_wait3A_153 : memref<10240x128xf32, #tpu.memory_space<hbm>>) dst(%arg8 : memref<64x128xf32, #tpu.memory_space<vmem>>)
      %dma_start3A_154 = arith.constant 64 : i32
      %dma_start3A_155 = tpu.memref_slice %arg6[%add3A_147, %dma_start3A_154] : memref<80x128xi32, #tpu.memory_space<vmem>> -> memref<1x64xi32, #tpu.memory_space<vmem>>
      %dma_start3A_156 = tpu.memref_squeeze %dma_start3A_155 : memref<1x64xi32, #tpu.memory_space<vmem>> -> memref<64xi32, #tpu.memory_space<vmem>>
      %dma_start3A_157 = arith.constant 0 : i32
      %dma_start3A_158 = arith.constant 0 : i32
      %dma_start3A_159 = tpu.memref_slice %arg11[%dma_start3A_157, %dma_start3A_158] : memref<10240x128xf32, #tpu.memory_space<vmem_shared>> -> memref<10240x128xf32, #tpu.memory_space<vmem_shared>>
      tpu.enqueue_indirect_dma source(%arg8 : memref<64x128xf32, #tpu.memory_space<vmem>>) target(%dma_start3A_159 : memref<10240x128xf32, #tpu.memory_space<vmem_shared>>) offsets(%dma_start3A_156 : memref<64xi32, #tpu.memory_space<vmem>>) semaphore(%arg17 : memref<!tpu.dma_semaphore, #tpu.memory_space<semaphore_mem>>) {add = true}
      %sub3A_160 = arith.constant 1 : i32
      %sub3A_161 = arith.subi %add3A_147, %sub3A_160 : i32
      %ge3A_162 = arith.constant 0 : i32
      %ge3A_163 = arith.cmpi sge, %sub3A_161, %ge3A_162 : i32
      %add3A_164 = arith.constant 4 : i32
      %add3A_165 = arith.addi %sub3A_161, %add3A_164 : i32
      %lt3A_166 = arith.constant 80 : i32
      %lt3A_167 = arith.cmpi slt, %add3A_165, %lt3A_166 : i32
      %and3A_168 = arith.andi %ge3A_163, %lt3A_167 : i1
      %convert_element_type3A_169 = arith.extui %and3A_168 : i1 to i32
      %cond3A_170 = arith.constant 0 : i32
      %cond3A_171 = arith.cmpi ne, %convert_element_type3A_169, %cond3A_170 : i32
      scf.if %cond3A_171 {
        %dma_wait3A_229 = arith.constant 64 : i32
        %dma_wait3A_230 = tpu.memref_slice %arg6[%sub3A_161, %dma_wait3A_229] : memref<80x128xi32, #tpu.memory_space<vmem>> -> memref<1x64xi32, #tpu.memory_space<vmem>>
        %dma_wait3A_231 = tpu.memref_squeeze %dma_wait3A_230 : memref<1x64xi32, #tpu.memory_space<vmem>> -> memref<64xi32, #tpu.memory_space<vmem>>
        %dma_wait3A_232 = arith.constant 0 : i32
        %dma_wait3A_233 = arith.constant 0 : i32
        %dma_wait3A_234 = tpu.memref_slice %arg11[%dma_wait3A_232, %dma_wait3A_233] : memref<10240x128xf32, #tpu.memory_space<vmem_shared>> -> memref<10240x128xf32, #tpu.memory_space<vmem_shared>>
        tpu.wait_indirect_dma semaphore(%arg16 : memref<!tpu.dma_semaphore, #tpu.memory_space<semaphore_mem>>) src(%arg7 : memref<64x128xf32, #tpu.memory_space<vmem>>) dst(%dma_wait3A_234 : memref<10240x128xf32, #tpu.memory_space<vmem_shared>>)
        %add3A_235 = arith.constant 4 : i32
        %add3A_236 = arith.addi %sub3A_161, %add3A_235 : i32
        %dma_start3A_237 = arith.constant 0 : i32
        %dma_start3A_238 = tpu.memref_slice %arg6[%add3A_236, %dma_start3A_237] : memref<80x128xi32, #tpu.memory_space<vmem>> -> memref<1x64xi32, #tpu.memory_space<vmem>>
        %dma_start3A_239 = tpu.memref_squeeze %dma_start3A_238 : memref<1x64xi32, #tpu.memory_space<vmem>> -> memref<64xi32, #tpu.memory_space<vmem>>
        %dma_start3A_240 = arith.constant 0 : i32
        %dma_start3A_241 = arith.constant 0 : i32
        %dma_start3A_242 = tpu.memref_slice %arg2[%dma_start3A_240, %dma_start3A_241] : memref<10240x128xf32, #tpu.memory_space<hbm>> -> memref<10240x128xf32, #tpu.memory_space<hbm>>
        tpu.enqueue_indirect_dma source(%dma_start3A_242 : memref<10240x128xf32, #tpu.memory_space<hbm>>) target(%arg7 : memref<64x128xf32, #tpu.memory_space<vmem>>) offsets(%dma_start3A_239 : memref<64xi32, #tpu.memory_space<vmem>>) semaphore(%arg12 : memref<!tpu.dma_semaphore, #tpu.memory_space<semaphore_mem>>)
      } else {
      }
      %mul3A_172 = arith.constant 4 : i32
      %mul3A_173 = arith.muli %mul3A_172, %scan3A_118 : i32
      %add3A_174 = arith.constant 2 : i32
      %add3A_175 = arith.addi %mul3A_173, %add3A_174 : i32
      %dma_wait3A_176 = arith.constant 0 : i32
      %dma_wait3A_177 = tpu.memref_slice %arg6[%add3A_175, %dma_wait3A_176] : memref<80x128xi32, #tpu.memory_space<vmem>> -> memref<1x64xi32, #tpu.memory_space<vmem>>
      %dma_wait3A_178 = tpu.memref_squeeze %dma_wait3A_177 : memref<1x64xi32, #tpu.memory_space<vmem>> -> memref<64xi32, #tpu.memory_space<vmem>>
      %dma_wait3A_179 = arith.constant 0 : i32
      %dma_wait3A_180 = arith.constant 0 : i32
      %dma_wait3A_181 = tpu.memref_slice %arg2[%dma_wait3A_179, %dma_wait3A_180] : memref<10240x128xf32, #tpu.memory_space<hbm>> -> memref<10240x128xf32, #tpu.memory_space<hbm>>
      tpu.wait_indirect_dma semaphore(%arg14 : memref<!tpu.dma_semaphore, #tpu.memory_space<semaphore_mem>>) src(%dma_wait3A_181 : memref<10240x128xf32, #tpu.memory_space<hbm>>) dst(%arg9 : memref<64x128xf32, #tpu.memory_space<vmem>>)
      %dma_start3A_182 = arith.constant 64 : i32
      %dma_start3A_183 = tpu.memref_slice %arg6[%add3A_175, %dma_start3A_182] : memref<80x128xi32, #tpu.memory_space<vmem>> -> memref<1x64xi32, #tpu.memory_space<vmem>>
      %dma_start3A_184 = tpu.memref_squeeze %dma_start3A_183 : memref<1x64xi32, #tpu.memory_space<vmem>> -> memref<64xi32, #tpu.memory_space<vmem>>
      %dma_start3A_185 = arith.constant 0 : i32
      %dma_start3A_186 = arith.constant 0 : i32
      %dma_start3A_187 = tpu.memref_slice %arg11[%dma_start3A_185, %dma_start3A_186] : memref<10240x128xf32, #tpu.memory_space<vmem_shared>> -> memref<10240x128xf32, #tpu.memory_space<vmem_shared>>
      tpu.enqueue_indirect_dma source(%arg9 : memref<64x128xf32, #tpu.memory_space<vmem>>) target(%dma_start3A_187 : memref<10240x128xf32, #tpu.memory_space<vmem_shared>>) offsets(%dma_start3A_184 : memref<64xi32, #tpu.memory_space<vmem>>) semaphore(%arg18 : memref<!tpu.dma_semaphore, #tpu.memory_space<semaphore_mem>>) {add = true}
      %sub3A_188 = arith.constant 1 : i32
      %sub3A_189 = arith.subi %add3A_175, %sub3A_188 : i32
      %ge3A_190 = arith.constant 0 : i32
      %ge3A_191 = arith.cmpi sge, %sub3A_189, %ge3A_190 : i32
      %add3A_192 = arith.constant 4 : i32
      %add3A_193 = arith.addi %sub3A_189, %add3A_192 : i32
      %lt3A_194 = arith.constant 80 : i32
      %lt3A_195 = arith.cmpi slt, %add3A_193, %lt3A_194 : i32
      %and3A_196 = arith.andi %ge3A_191, %lt3A_195 : i1
      %convert_element_type3A_197 = arith.extui %and3A_196 : i1 to i32
      %cond3A_198 = arith.constant 0 : i32
      %cond3A_199 = arith.cmpi ne, %convert_element_type3A_197, %cond3A_198 : i32
      scf.if %cond3A_199 {
        %dma_wait3A_229 = arith.constant 64 : i32
        %dma_wait3A_230 = tpu.memref_slice %arg6[%sub3A_189, %dma_wait3A_229] : memref<80x128xi32, #tpu.memory_space<vmem>> -> memref<1x64xi32, #tpu.memory_space<vmem>>
        %dma_wait3A_231 = tpu.memref_squeeze %dma_wait3A_230 : memref<1x64xi32, #tpu.memory_space<vmem>> -> memref<64xi32, #tpu.memory_space<vmem>>
        %dma_wait3A_232 = arith.constant 0 : i32
        %dma_wait3A_233 = arith.constant 0 : i32
        %dma_wait3A_234 = tpu.memref_slice %arg11[%dma_wait3A_232, %dma_wait3A_233] : memref<10240x128xf32, #tpu.memory_space<vmem_shared>> -> memref<10240x128xf32, #tpu.memory_space<vmem_shared>>
        tpu.wait_indirect_dma semaphore(%arg17 : memref<!tpu.dma_semaphore, #tpu.memory_space<semaphore_mem>>) src(%arg8 : memref<64x128xf32, #tpu.memory_space<vmem>>) dst(%dma_wait3A_234 : memref<10240x128xf32, #tpu.memory_space<vmem_shared>>)
        %add3A_235 = arith.constant 4 : i32
        %add3A_236 = arith.addi %sub3A_189, %add3A_235 : i32
        %dma_start3A_237 = arith.constant 0 : i32
        %dma_start3A_238 = tpu.memref_slice %arg6[%add3A_236, %dma_start3A_237] : memref<80x128xi32, #tpu.memory_space<vmem>> -> memref<1x64xi32, #tpu.memory_space<vmem>>
        %dma_start3A_239 = tpu.memref_squeeze %dma_start3A_238 : memref<1x64xi32, #tpu.memory_space<vmem>> -> memref<64xi32, #tpu.memory_space<vmem>>
        %dma_start3A_240 = arith.constant 0 : i32
        %dma_start3A_241 = arith.constant 0 : i32
        %dma_start3A_242 = tpu.memref_slice %arg2[%dma_start3A_240, %dma_start3A_241] : memref<10240x128xf32, #tpu.memory_space<hbm>> -> memref<10240x128xf32, #tpu.memory_space<hbm>>
        tpu.enqueue_indirect_dma source(%dma_start3A_242 : memref<10240x128xf32, #tpu.memory_space<hbm>>) target(%arg8 : memref<64x128xf32, #tpu.memory_space<vmem>>) offsets(%dma_start3A_239 : memref<64xi32, #tpu.memory_space<vmem>>) semaphore(%arg13 : memref<!tpu.dma_semaphore, #tpu.memory_space<semaphore_mem>>)
      } else {
      }
      %mul3A_200 = arith.constant 4 : i32
      %mul3A_201 = arith.muli %mul3A_200, %scan3A_118 : i32
      %add3A_202 = arith.constant 3 : i32
      %add3A_203 = arith.addi %mul3A_201, %add3A_202 : i32
      %dma_wait3A_204 = arith.constant 0 : i32
      %dma_wait3A_205 = tpu.memref_slice %arg6[%add3A_203, %dma_wait3A_204] : memref<80x128xi32, #tpu.memory_space<vmem>> -> memref<1x64xi32, #tpu.memory_space<vmem>>
      %dma_wait3A_206 = tpu.memref_squeeze %dma_wait3A_205 : memref<1x64xi32, #tpu.memory_space<vmem>> -> memref<64xi32, #tpu.memory_space<vmem>>
      %dma_wait3A_207 = arith.constant 0 : i32
      %dma_wait3A_208 = arith.constant 0 : i32
      %dma_wait3A_209 = tpu.memref_slice %arg2[%dma_wait3A_207, %dma_wait3A_208] : memref<10240x128xf32, #tpu.memory_space<hbm>> -> memref<10240x128xf32, #tpu.memory_space<hbm>>
      tpu.wait_indirect_dma semaphore(%arg15 : memref<!tpu.dma_semaphore, #tpu.memory_space<semaphore_mem>>) src(%dma_wait3A_209 : memref<10240x128xf32, #tpu.memory_space<hbm>>) dst(%arg10 : memref<64x128xf32, #tpu.memory_space<vmem>>)
      %dma_start3A_210 = arith.constant 64 : i32
      %dma_start3A_211 = tpu.memref_slice %arg6[%add3A_203, %dma_start3A_210] : memref<80x128xi32, #tpu.memory_space<vmem>> -> memref<1x64xi32, #tpu.memory_space<vmem>>
      %dma_start3A_212 = tpu.memref_squeeze %dma_start3A_211 : memref<1x64xi32, #tpu.memory_space<vmem>> -> memref<64xi32, #tpu.memory_space<vmem>>
      %dma_start3A_213 = arith.constant 0 : i32
      %dma_start3A_214 = arith.constant 0 : i32
      %dma_start3A_215 = tpu.memref_slice %arg11[%dma_start3A_213, %dma_start3A_214] : memref<10240x128xf32, #tpu.memory_space<vmem_shared>> -> memref<10240x128xf32, #tpu.memory_space<vmem_shared>>
      tpu.enqueue_indirect_dma source(%arg10 : memref<64x128xf32, #tpu.memory_space<vmem>>) target(%dma_start3A_215 : memref<10240x128xf32, #tpu.memory_space<vmem_shared>>) offsets(%dma_start3A_212 : memref<64xi32, #tpu.memory_space<vmem>>) semaphore(%arg19 : memref<!tpu.dma_semaphore, #tpu.memory_space<semaphore_mem>>) {add = true}
      %sub3A_216 = arith.constant 1 : i32
      %sub3A_217 = arith.subi %add3A_203, %sub3A_216 : i32
      %ge3A_218 = arith.constant 0 : i32
      %ge3A_219 = arith.cmpi sge, %sub3A_217, %ge3A_218 : i32
      %add3A_220 = arith.constant 4 : i32
      %add3A_221 = arith.addi %sub3A_217, %add3A_220 : i32
      %lt3A_222 = arith.constant 80 : i32
      %lt3A_223 = arith.cmpi slt, %add3A_221, %lt3A_222 : i32
      %and3A_224 = arith.andi %ge3A_219, %lt3A_223 : i1
      %convert_element_type3A_225 = arith.extui %and3A_224 : i1 to i32
      %cond3A_226 = arith.constant 0 : i32
      %cond3A_227 = arith.cmpi ne, %convert_element_type3A_225, %cond3A_226 : i32
      scf.if %cond3A_227 {
        %dma_wait3A_229 = arith.constant 64 : i32
        %dma_wait3A_230 = tpu.memref_slice %arg6[%sub3A_217, %dma_wait3A_229] : memref<80x128xi32, #tpu.memory_space<vmem>> -> memref<1x64xi32, #tpu.memory_space<vmem>>
        %dma_wait3A_231 = tpu.memref_squeeze %dma_wait3A_230 : memref<1x64xi32, #tpu.memory_space<vmem>> -> memref<64xi32, #tpu.memory_space<vmem>>
        %dma_wait3A_232 = arith.constant 0 : i32
        %dma_wait3A_233 = arith.constant 0 : i32
        %dma_wait3A_234 = tpu.memref_slice %arg11[%dma_wait3A_232, %dma_wait3A_233] : memref<10240x128xf32, #tpu.memory_space<vmem_shared>> -> memref<10240x128xf32, #tpu.memory_space<vmem_shared>>
        tpu.wait_indirect_dma semaphore(%arg18 : memref<!tpu.dma_semaphore, #tpu.memory_space<semaphore_mem>>) src(%arg9 : memref<64x128xf32, #tpu.memory_space<vmem>>) dst(%dma_wait3A_234 : memref<10240x128xf32, #tpu.memory_space<vmem_shared>>)
        %add3A_235 = arith.constant 4 : i32
        %add3A_236 = arith.addi %sub3A_217, %add3A_235 : i32
        %dma_start3A_237 = arith.constant 0 : i32
        %dma_start3A_238 = tpu.memref_slice %arg6[%add3A_236, %dma_start3A_237] : memref<80x128xi32, #tpu.memory_space<vmem>> -> memref<1x64xi32, #tpu.memory_space<vmem>>
        %dma_start3A_239 = tpu.memref_squeeze %dma_start3A_238 : memref<1x64xi32, #tpu.memory_space<vmem>> -> memref<64xi32, #tpu.memory_space<vmem>>
        %dma_start3A_240 = arith.constant 0 : i32
        %dma_start3A_241 = arith.constant 0 : i32
        %dma_start3A_242 = tpu.memref_slice %arg2[%dma_start3A_240, %dma_start3A_241] : memref<10240x128xf32, #tpu.memory_space<hbm>> -> memref<10240x128xf32, #tpu.memory_space<hbm>>
        tpu.enqueue_indirect_dma source(%dma_start3A_242 : memref<10240x128xf32, #tpu.memory_space<hbm>>) target(%arg9 : memref<64x128xf32, #tpu.memory_space<vmem>>) offsets(%dma_start3A_239 : memref<64xi32, #tpu.memory_space<vmem>>) semaphore(%arg14 : memref<!tpu.dma_semaphore, #tpu.memory_space<semaphore_mem>>)
      } else {
      }
      %scan3A_228 = arith.constant 0 : i32
      scf.yield %scan3A_228 : i32
    }
    %scan3A_82 = arith.constant 20 : i32
    %dma_wait3A = arith.constant 76 : i32
    %dma_wait3A_83 = arith.constant 64 : i32
    %dma_wait3A_84 = tpu.memref_slice %arg6[%dma_wait3A, %dma_wait3A_83] : memref<80x128xi32, #tpu.memory_space<vmem>> -> memref<1x64xi32, #tpu.memory_space<vmem>>
    %dma_wait3A_85 = tpu.memref_squeeze %dma_wait3A_84 : memref<1x64xi32, #tpu.memory_space<vmem>> -> memref<64xi32, #tpu.memory_space<vmem>>
    %dma_wait3A_86 = arith.constant 0 : i32
    %dma_wait3A_87 = arith.constant 0 : i32
    %dma_wait3A_88 = tpu.memref_slice %arg11[%dma_wait3A_86, %dma_wait3A_87] : memref<10240x128xf32, #tpu.memory_space<vmem_shared>> -> memref<10240x128xf32, #tpu.memory_space<vmem_shared>>
    tpu.wait_indirect_dma semaphore(%arg16 : memref<!tpu.dma_semaphore, #tpu.memory_space<semaphore_mem>>) src(%arg7 : memref<64x128xf32, #tpu.memory_space<vmem>>) dst(%dma_wait3A_88 : memref<10240x128xf32, #tpu.memory_space<vmem_shared>>)
    %dma_wait3A_89 = arith.constant 77 : i32
    %dma_wait3A_90 = arith.constant 64 : i32
    %dma_wait3A_91 = tpu.memref_slice %arg6[%dma_wait3A_89, %dma_wait3A_90] : memref<80x128xi32, #tpu.memory_space<vmem>> -> memref<1x64xi32, #tpu.memory_space<vmem>>
    %dma_wait3A_92 = tpu.memref_squeeze %dma_wait3A_91 : memref<1x64xi32, #tpu.memory_space<vmem>> -> memref<64xi32, #tpu.memory_space<vmem>>
    %dma_wait3A_93 = arith.constant 0 : i32
    %dma_wait3A_94 = arith.constant 0 : i32
    %dma_wait3A_95 = tpu.memref_slice %arg11[%dma_wait3A_93, %dma_wait3A_94] : memref<10240x128xf32, #tpu.memory_space<vmem_shared>> -> memref<10240x128xf32, #tpu.memory_space<vmem_shared>>
    tpu.wait_indirect_dma semaphore(%arg17 : memref<!tpu.dma_semaphore, #tpu.memory_space<semaphore_mem>>) src(%arg8 : memref<64x128xf32, #tpu.memory_space<vmem>>) dst(%dma_wait3A_95 : memref<10240x128xf32, #tpu.memory_space<vmem_shared>>)
    %dma_wait3A_96 = arith.constant 78 : i32
    %dma_wait3A_97 = arith.constant 64 : i32
    %dma_wait3A_98 = tpu.memref_slice %arg6[%dma_wait3A_96, %dma_wait3A_97] : memref<80x128xi32, #tpu.memory_space<vmem>> -> memref<1x64xi32, #tpu.memory_space<vmem>>
    %dma_wait3A_99 = tpu.memref_squeeze %dma_wait3A_98 : memref<1x64xi32, #tpu.memory_space<vmem>> -> memref<64xi32, #tpu.memory_space<vmem>>
    %dma_wait3A_100 = arith.constant 0 : i32
    %dma_wait3A_101 = arith.constant 0 : i32
    %dma_wait3A_102 = tpu.memref_slice %arg11[%dma_wait3A_100, %dma_wait3A_101] : memref<10240x128xf32, #tpu.memory_space<vmem_shared>> -> memref<10240x128xf32, #tpu.memory_space<vmem_shared>>
    tpu.wait_indirect_dma semaphore(%arg18 : memref<!tpu.dma_semaphore, #tpu.memory_space<semaphore_mem>>) src(%arg9 : memref<64x128xf32, #tpu.memory_space<vmem>>) dst(%dma_wait3A_102 : memref<10240x128xf32, #tpu.memory_space<vmem_shared>>)
    %dma_wait3A_103 = arith.constant 79 : i32
    %dma_wait3A_104 = arith.constant 64 : i32
    %dma_wait3A_105 = tpu.memref_slice %arg6[%dma_wait3A_103, %dma_wait3A_104] : memref<80x128xi32, #tpu.memory_space<vmem>> -> memref<1x64xi32, #tpu.memory_space<vmem>>
    %dma_wait3A_106 = tpu.memref_squeeze %dma_wait3A_105 : memref<1x64xi32, #tpu.memory_space<vmem>> -> memref<64xi32, #tpu.memory_space<vmem>>
    %dma_wait3A_107 = arith.constant 0 : i32
    %dma_wait3A_108 = arith.constant 0 : i32
    %dma_wait3A_109 = tpu.memref_slice %arg11[%dma_wait3A_107, %dma_wait3A_108] : memref<10240x128xf32, #tpu.memory_space<vmem_shared>> -> memref<10240x128xf32, #tpu.memory_space<vmem_shared>>
    tpu.wait_indirect_dma semaphore(%arg19 : memref<!tpu.dma_semaphore, #tpu.memory_space<semaphore_mem>>) src(%arg10 : memref<64x128xf32, #tpu.memory_space<vmem>>) dst(%dma_wait3A_109 : memref<10240x128xf32, #tpu.memory_space<vmem_shared>>)
    %barrier3A_110 = arith.constant 0 : index
    tpu.barrier barrier_id(%barrier3A_110)
    %eq3A = arith.constant 0 : i32
    %eq3A_111 = arith.cmpi eq, %arg0, %eq3A : i32
    %convert_element_type3A = arith.extui %eq3A_111 : i1 to i32
    %cond3A = arith.constant 0 : i32
    %cond3A_112 = arith.cmpi ne, %convert_element_type3A, %cond3A : i32
    scf.if %cond3A_112 {
      %mul3A_118 = arith.constant 640 : i32
      %mul3A_119 = arith.muli %arg1, %mul3A_118 : i32
      %mul3A_120 = arith.constant 640 : i32
      %mul3A_121 = arith.muli %arg1, %mul3A_120 : i32
      "tpu.region"() ({
        %run_scoped3A = tpu.sem_alloc : memref<!tpu.dma_semaphore, #tpu.memory_space<semaphore_mem>>
        %dma_start3A_122 = arith.constant 0 : i32
        %dma_start3A_123 = tpu.memref_slice %arg4[%mul3A_121, %dma_start3A_122] : memref<10240x128xf32, #tpu.memory_space<hbm>> -> memref<640x128xf32, #tpu.memory_space<hbm>>
        %dma_start3A_124 = arith.constant 0 : i32
        %dma_start3A_125 = tpu.memref_slice %arg11[%mul3A_119, %dma_start3A_124] : memref<10240x128xf32, #tpu.memory_space<vmem_shared>> -> memref<640x128xf32, #tpu.memory_space<vmem_shared>>
        tpu.enqueue_dma source(%dma_start3A_125 : memref<640x128xf32, #tpu.memory_space<vmem_shared>>) target(%dma_start3A_123 : memref<640x128xf32, #tpu.memory_space<hbm>>) target_semaphore(%run_scoped3A : memref<!tpu.dma_semaphore, #tpu.memory_space<semaphore_mem>>)
        %dma_wait3A_126 = arith.constant 0 : i32
        %dma_wait3A_127 = tpu.memref_slice %arg4[%mul3A_121, %dma_wait3A_126] : memref<10240x128xf32, #tpu.memory_space<hbm>> -> memref<640x128xf32, #tpu.memory_space<hbm>>
        %dma_wait3A_128 = arith.constant 0 : i32
        %dma_wait3A_129 = tpu.memref_slice %arg11[%mul3A_119, %dma_wait3A_128] : memref<10240x128xf32, #tpu.memory_space<vmem_shared>> -> memref<640x128xf32, #tpu.memory_space<vmem_shared>>
        tpu.wait_dma2 semaphore(%run_scoped3A : memref<!tpu.dma_semaphore, #tpu.memory_space<semaphore_mem>>) src(%dma_wait3A_129 : memref<640x128xf32, #tpu.memory_space<vmem_shared>>) dst(%dma_wait3A_127 : memref<640x128xf32, #tpu.memory_space<hbm>>)
        tpu.yield
      }) : () -> ()
    } else {
    }
    %eq3A_113 = arith.constant 1 : i32
    %eq3A_114 = arith.cmpi eq, %arg0, %eq3A_113 : i32
    %convert_element_type3A_115 = arith.extui %eq3A_114 : i1 to i32
    %cond3A_116 = arith.constant 0 : i32
    %cond3A_117 = arith.cmpi ne, %convert_element_type3A_115, %cond3A_116 : i32
    scf.if %cond3A_117 {
      %mul3A_118 = arith.constant 640 : i32
      %mul3A_119 = arith.muli %arg1, %mul3A_118 : i32
      %mul3A_120 = arith.constant 640 : i32
      %mul3A_121 = arith.muli %arg1, %mul3A_120 : i32
      "tpu.region"() ({
        %run_scoped3A = tpu.sem_alloc : memref<!tpu.dma_semaphore, #tpu.memory_space<semaphore_mem>>
        %dma_start3A_122 = arith.constant 0 : i32
        %dma_start3A_123 = tpu.memref_slice %arg5[%mul3A_121, %dma_start3A_122] : memref<10240x128xf32, #tpu.memory_space<hbm>> -> memref<640x128xf32, #tpu.memory_space<hbm>>
        %dma_start3A_124 = arith.constant 0 : i32
        %dma_start3A_125 = tpu.memref_slice %arg11[%mul3A_119, %dma_start3A_124] : memref<10240x128xf32, #tpu.memory_space<vmem_shared>> -> memref<640x128xf32, #tpu.memory_space<vmem_shared>>
        tpu.enqueue_dma source(%dma_start3A_125 : memref<640x128xf32, #tpu.memory_space<vmem_shared>>) target(%dma_start3A_123 : memref<640x128xf32, #tpu.memory_space<hbm>>) target_semaphore(%run_scoped3A : memref<!tpu.dma_semaphore, #tpu.memory_space<semaphore_mem>>)
        %dma_wait3A_126 = arith.constant 0 : i32
        %dma_wait3A_127 = tpu.memref_slice %arg5[%mul3A_121, %dma_wait3A_126] : memref<10240x128xf32, #tpu.memory_space<hbm>> -> memref<640x128xf32, #tpu.memory_space<hbm>>
        %dma_wait3A_128 = arith.constant 0 : i32
        %dma_wait3A_129 = tpu.memref_slice %arg11[%mul3A_119, %dma_wait3A_128] : memref<10240x128xf32, #tpu.memory_space<vmem_shared>> -> memref<640x128xf32, #tpu.memory_space<vmem_shared>>
        tpu.wait_dma2 semaphore(%run_scoped3A : memref<!tpu.dma_semaphore, #tpu.memory_space<semaphore_mem>>) src(%dma_wait3A_129 : memref<640x128xf32, #tpu.memory_space<vmem_shared>>) dst(%dma_wait3A_127 : memref<640x128xf32, #tpu.memory_space<hbm>>)
        tpu.yield
      }) : () -> ()
    } else {
    }
    return
  }
}

#map = affine_map<(d0, d1) -> (0)>
#map1 = affine_map<(d0, d1) -> (0, 0)>
module attributes {stable_mosaic.version = 14 : i64} {
  func.func @_scal_kernel(%arg0: i32, %arg1: i32, %arg2: memref<10240xf32, #tpu.memory_space<hbm>>, %arg3: memref<163840xi32, #tpu.memory_space<hbm>>, %arg4: memref<163840xi32, #tpu.memory_space<hbm>>, %arg5: memref<32x10240xf32, #tpu.memory_space<hbm>>, %arg6: memref<5120xi32, #tpu.memory_space<vmem>>, %arg7: memref<5120xi32, #tpu.memory_space<vmem>>, %arg8: memref<10240xf32, #tpu.memory_space<vmem>>, %arg9: memref<10240xf32, #tpu.memory_space<vmem>>) attributes {dimension_semantics = [#tpu.dimension_semantics<core_parallel>, #tpu.dimension_semantics<subcore_parallel>], iteration_bounds = array<i64: 2, 16>, scalar_prefetch = 0 : i64, scratch_operands = 4 : i64, tpu.core_type = #tpu.core_type<sc_vector_subcore>, window_params = [{transform_indices = #map}, {transform_indices = #map}, {transform_indices = #map}, {transform_indices = #map1}]} {
    %mul3A = arith.constant 16 : i32
    %mul3A_0 = arith.muli %arg0, %mul3A : i32
    %add3A = arith.addi %mul3A_0, %arg1 : i32
    %scan3A = arith.constant 0 : i32
    %scan3A_1 = arith.constant 0 : i32
    %scan3A_2 = arith.constant 640 : i32
    %scan3A_3 = arith.addi %scan3A_1, %scan3A_2 : i32
    %scan3A_4 = arith.constant 1 : i32
    %scan3A_5 = scf.for %scan3A_18 = %scan3A_1 to %scan3A_3 step %scan3A_4 iter_args(%scan3A_19 = %scan3A) -> (i32)  : i32 {
      %broadcast_in_dim3A = arith.constant 0.000000e+00 : f32
      %broadcast_in_dim3A_20 = vector.broadcast %broadcast_in_dim3A : f32 to vector<16xf32>
      %mul3A_21 = arith.constant 16 : i32
      %mul3A_22 = arith.muli %scan3A_18, %mul3A_21 : i32
      %swap3A = arith.index_cast %mul3A_22 : i32 to index
      %swap3A_23 = tpu.vector_load %arg9[%swap3A] {strides = array<i32>} : memref<10240xf32, #tpu.memory_space<vmem>>, vector<16xf32>,
      tpu.vector_store %arg9[%swap3A], %broadcast_in_dim3A_20 {strides = array<i32>} : memref<10240xf32, #tpu.memory_space<vmem>>, vector<16xf32>,
      %scan3A_24 = arith.constant 0 : i32
      scf.yield %scan3A_24 : i32
    }
    %scan3A_6 = arith.constant 640 : i32
    "tpu.region"() ({
      %run_scoped3A = tpu.sem_alloc : memref<!tpu.dma_semaphore, #tpu.memory_space<semaphore_mem>>
      tpu.enqueue_dma source(%arg2 : memref<10240xf32, #tpu.memory_space<hbm>>) target(%arg8 : memref<10240xf32, #tpu.memory_space<vmem>>) target_semaphore(%run_scoped3A : memref<!tpu.dma_semaphore, #tpu.memory_space<semaphore_mem>>)
      tpu.wait_dma2 semaphore(%run_scoped3A : memref<!tpu.dma_semaphore, #tpu.memory_space<semaphore_mem>>) src(%arg2 : memref<10240xf32, #tpu.memory_space<hbm>>) dst(%arg8 : memref<10240xf32, #tpu.memory_space<vmem>>)
      tpu.yield
    }) : () -> ()
    %mul3A_7 = arith.constant 5120 : i32
    %mul3A_8 = arith.muli %add3A, %mul3A_7 : i32
    "tpu.region"() ({
      %run_scoped3A = tpu.sem_alloc : memref<!tpu.dma_semaphore, #tpu.memory_space<semaphore_mem>>
      %dma_start3A = tpu.memref_slice %arg3[%mul3A_8] : memref<163840xi32, #tpu.memory_space<hbm>> -> memref<5120xi32, #tpu.memory_space<hbm>>
      %dma_start3A_18 = tpu.memref_slice %arg3[%mul3A_8] : memref<163840xi32, #tpu.memory_space<hbm>> -> memref<5120xi32, #tpu.memory_space<hbm>>
      tpu.enqueue_dma source(%dma_start3A_18 : memref<5120xi32, #tpu.memory_space<hbm>>) target(%arg6 : memref<5120xi32, #tpu.memory_space<vmem>>) target_semaphore(%run_scoped3A : memref<!tpu.dma_semaphore, #tpu.memory_space<semaphore_mem>>)
      %dma_wait3A = tpu.memref_slice %arg3[%mul3A_8] : memref<163840xi32, #tpu.memory_space<hbm>> -> memref<5120xi32, #tpu.memory_space<hbm>>
      %dma_wait3A_19 = tpu.memref_slice %arg3[%mul3A_8] : memref<163840xi32, #tpu.memory_space<hbm>> -> memref<5120xi32, #tpu.memory_space<hbm>>
      tpu.wait_dma2 semaphore(%run_scoped3A : memref<!tpu.dma_semaphore, #tpu.memory_space<semaphore_mem>>) src(%dma_wait3A_19 : memref<5120xi32, #tpu.memory_space<hbm>>) dst(%arg6 : memref<5120xi32, #tpu.memory_space<vmem>>)
      tpu.yield
    }) : () -> ()
    %mul3A_9 = arith.constant 5120 : i32
    %mul3A_10 = arith.muli %add3A, %mul3A_9 : i32
    "tpu.region"() ({
      %run_scoped3A = tpu.sem_alloc : memref<!tpu.dma_semaphore, #tpu.memory_space<semaphore_mem>>
      %dma_start3A = tpu.memref_slice %arg4[%mul3A_10] : memref<163840xi32, #tpu.memory_space<hbm>> -> memref<5120xi32, #tpu.memory_space<hbm>>
      %dma_start3A_18 = tpu.memref_slice %arg4[%mul3A_10] : memref<163840xi32, #tpu.memory_space<hbm>> -> memref<5120xi32, #tpu.memory_space<hbm>>
      tpu.enqueue_dma source(%dma_start3A_18 : memref<5120xi32, #tpu.memory_space<hbm>>) target(%arg7 : memref<5120xi32, #tpu.memory_space<vmem>>) target_semaphore(%run_scoped3A : memref<!tpu.dma_semaphore, #tpu.memory_space<semaphore_mem>>)
      %dma_wait3A = tpu.memref_slice %arg4[%mul3A_10] : memref<163840xi32, #tpu.memory_space<hbm>> -> memref<5120xi32, #tpu.memory_space<hbm>>
      %dma_wait3A_19 = tpu.memref_slice %arg4[%mul3A_10] : memref<163840xi32, #tpu.memory_space<hbm>> -> memref<5120xi32, #tpu.memory_space<hbm>>
      tpu.wait_dma2 semaphore(%run_scoped3A : memref<!tpu.dma_semaphore, #tpu.memory_space<semaphore_mem>>) src(%dma_wait3A_19 : memref<5120xi32, #tpu.memory_space<hbm>>) dst(%arg7 : memref<5120xi32, #tpu.memory_space<vmem>>)
      tpu.yield
    }) : () -> ()
    %scan3A_11 = arith.constant 0 : i32
    %scan3A_12 = arith.constant 0 : i32
    %scan3A_13 = arith.constant 320 : i32
    %scan3A_14 = arith.addi %scan3A_12, %scan3A_13 : i32
    %scan3A_15 = arith.constant 1 : i32
    %scan3A_16 = scf.for %scan3A_18 = %scan3A_12 to %scan3A_14 step %scan3A_15 iter_args(%scan3A_19 = %scan3A_11) -> (i32)  : i32 {
      %mul3A_20 = arith.constant 16 : i32
      %mul3A_21 = arith.muli %scan3A_18, %mul3A_20 : i32
      %get3A = arith.index_cast %mul3A_21 : i32 to index
      %get3A_22 = tpu.vector_load %arg6[%get3A] {strides = array<i32>} : memref<5120xi32, #tpu.memory_space<vmem>>, vector<16xi32>,
      %mul3A_23 = arith.constant 16 : i32
      %mul3A_24 = arith.muli %scan3A_18, %mul3A_23 : i32
      %get3A_25 = arith.index_cast %mul3A_24 : i32 to index
      %get3A_26 = tpu.vector_load %arg7[%get3A_25] {strides = array<i32>} : memref<5120xi32, #tpu.memory_space<vmem>>, vector<16xi32>,
      %gather3A = tpu.vector_load_idx %arg8[%get3A_22] : memref<10240xf32, #tpu.memory_space<vmem>>[vector<16xi32>], vector<16xf32>,
      tpu.vector_store_idx %arg9[%get3A_26], %gather3A {add = true} : memref<10240xf32, #tpu.memory_space<vmem>>[vector<16xi32>], vector<16xf32>,
      %scan3A_27 = arith.constant 0 : i32
      scf.yield %scan3A_27 : i32
    }
    %scan3A_17 = arith.constant 320 : i32
    "tpu.region"() ({
      %run_scoped3A = tpu.sem_alloc : memref<!tpu.dma_semaphore, #tpu.memory_space<semaphore_mem>>
      %dma_start3A = arith.constant 0 : i32
      %dma_start3A_18 = tpu.memref_slice %arg5[%add3A, %dma_start3A] : memref<32x10240xf32, #tpu.memory_space<hbm>> -> memref<1x10240xf32, #tpu.memory_space<hbm>>
      %dma_start3A_19 = tpu.memref_squeeze %dma_start3A_18 : memref<1x10240xf32, #tpu.memory_space<hbm>> -> memref<10240xf32, #tpu.memory_space<hbm>>
      %dma_start3A_20 = arith.constant 0 : i32
      %dma_start3A_21 = tpu.memref_slice %arg5[%add3A, %dma_start3A_20] : memref<32x10240xf32, #tpu.memory_space<hbm>> -> memref<1x10240xf32, #tpu.memory_space<hbm>>
      %dma_start3A_22 = tpu.memref_squeeze %dma_start3A_21 : memref<1x10240xf32, #tpu.memory_space<hbm>> -> memref<10240xf32, #tpu.memory_space<hbm>>
      tpu.enqueue_dma source(%arg9 : memref<10240xf32, #tpu.memory_space<vmem>>) target(%dma_start3A_22 : memref<10240xf32, #tpu.memory_space<hbm>>) target_semaphore(%run_scoped3A : memref<!tpu.dma_semaphore, #tpu.memory_space<semaphore_mem>>)
      %dma_wait3A = arith.constant 0 : i32
      %dma_wait3A_23 = tpu.memref_slice %arg5[%add3A, %dma_wait3A] : memref<32x10240xf32, #tpu.memory_space<hbm>> -> memref<1x10240xf32, #tpu.memory_space<hbm>>
      %dma_wait3A_24 = tpu.memref_squeeze %dma_wait3A_23 : memref<1x10240xf32, #tpu.memory_space<hbm>> -> memref<10240xf32, #tpu.memory_space<hbm>>
      %dma_wait3A_25 = arith.constant 0 : i32
      %dma_wait3A_26 = tpu.memref_slice %arg5[%add3A, %dma_wait3A_25] : memref<32x10240xf32, #tpu.memory_space<hbm>> -> memref<1x10240xf32, #tpu.memory_space<hbm>>
      %dma_wait3A_27 = tpu.memref_squeeze %dma_wait3A_26 : memref<1x10240xf32, #tpu.memory_space<hbm>> -> memref<10240xf32, #tpu.memory_space<hbm>>
      tpu.wait_dma2 semaphore(%run_scoped3A : memref<!tpu.dma_semaphore, #tpu.memory_space<semaphore_mem>>) src(%arg9 : memref<10240xf32, #tpu.memory_space<vmem>>) dst(%dma_wait3A_27 : memref<10240xf32, #tpu.memory_space<hbm>>)
      tpu.yield
    }) : () -> ()
    return
  }
}

#map = affine_map<(d0, d1) -> (0)>
#map1 = affine_map<(d0, d1) -> (0, 0)>
module attributes {stable_mosaic.version = 14 : i64} {
  func.func @_deg_kernel(%arg0: i32, %arg1: i32, %arg2: memref<163840xi32, #tpu.memory_space<hbm>>, %arg3: memref<32x10240xf32, #tpu.memory_space<hbm>>, %arg4: memref<5120xi32, #tpu.memory_space<vmem>>, %arg5: memref<10240xf32, #tpu.memory_space<vmem>>) attributes {dimension_semantics = [#tpu.dimension_semantics<core_parallel>, #tpu.dimension_semantics<subcore_parallel>], iteration_bounds = array<i64: 2, 16>, scalar_prefetch = 0 : i64, scratch_operands = 2 : i64, tpu.core_type = #tpu.core_type<sc_vector_subcore>, window_params = [{transform_indices = #map}, {transform_indices = #map1}]} {
    %mul3A = arith.constant 16 : i32
    %mul3A_0 = arith.muli %arg0, %mul3A : i32
    %add3A = arith.addi %mul3A_0, %arg1 : i32
    %scan3A = arith.constant 0 : i32
    %scan3A_1 = arith.constant 0 : i32
    %scan3A_2 = arith.constant 640 : i32
    %scan3A_3 = arith.addi %scan3A_1, %scan3A_2 : i32
    %scan3A_4 = arith.constant 1 : i32
    %scan3A_5 = scf.for %scan3A_17 = %scan3A_1 to %scan3A_3 step %scan3A_4 iter_args(%scan3A_18 = %scan3A) -> (i32)  : i32 {
      %broadcast_in_dim3A_19 = arith.constant 0.000000e+00 : f32
      %broadcast_in_dim3A_20 = vector.broadcast %broadcast_in_dim3A_19 : f32 to vector<16xf32>
      %mul3A_21 = arith.constant 16 : i32
      %mul3A_22 = arith.muli %scan3A_17, %mul3A_21 : i32
      %swap3A = arith.index_cast %mul3A_22 : i32 to index
      %swap3A_23 = tpu.vector_load %arg5[%swap3A] {strides = array<i32>} : memref<10240xf32, #tpu.memory_space<vmem>>, vector<16xf32>,
      tpu.vector_store %arg5[%swap3A], %broadcast_in_dim3A_20 {strides = array<i32>} : memref<10240xf32, #tpu.memory_space<vmem>>, vector<16xf32>,
      %scan3A_24 = arith.constant 0 : i32
      scf.yield %scan3A_24 : i32
    }
    %scan3A_6 = arith.constant 640 : i32
    %mul3A_7 = arith.constant 5120 : i32
    %mul3A_8 = arith.muli %add3A, %mul3A_7 : i32
    "tpu.region"() ({
      %run_scoped3A = tpu.sem_alloc : memref<!tpu.dma_semaphore, #tpu.memory_space<semaphore_mem>>
      %dma_start3A = tpu.memref_slice %arg2[%mul3A_8] : memref<163840xi32, #tpu.memory_space<hbm>> -> memref<5120xi32, #tpu.memory_space<hbm>>
      %dma_start3A_17 = tpu.memref_slice %arg2[%mul3A_8] : memref<163840xi32, #tpu.memory_space<hbm>> -> memref<5120xi32, #tpu.memory_space<hbm>>
      tpu.enqueue_dma source(%dma_start3A_17 : memref<5120xi32, #tpu.memory_space<hbm>>) target(%arg4 : memref<5120xi32, #tpu.memory_space<vmem>>) target_semaphore(%run_scoped3A : memref<!tpu.dma_semaphore, #tpu.memory_space<semaphore_mem>>)
      %dma_wait3A = tpu.memref_slice %arg2[%mul3A_8] : memref<163840xi32, #tpu.memory_space<hbm>> -> memref<5120xi32, #tpu.memory_space<hbm>>
      %dma_wait3A_18 = tpu.memref_slice %arg2[%mul3A_8] : memref<163840xi32, #tpu.memory_space<hbm>> -> memref<5120xi32, #tpu.memory_space<hbm>>
      tpu.wait_dma2 semaphore(%run_scoped3A : memref<!tpu.dma_semaphore, #tpu.memory_space<semaphore_mem>>) src(%dma_wait3A_18 : memref<5120xi32, #tpu.memory_space<hbm>>) dst(%arg4 : memref<5120xi32, #tpu.memory_space<vmem>>)
      tpu.yield
    }) : () -> ()
    %broadcast_in_dim3A = arith.constant 1.000000e+00 : f32
    %broadcast_in_dim3A_9 = vector.broadcast %broadcast_in_dim3A : f32 to vector<16xf32>
    %scan3A_10 = arith.constant 0 : i32
    %scan3A_11 = arith.constant 0 : i32
    %scan3A_12 = arith.constant 320 : i32
    %scan3A_13 = arith.addi %scan3A_11, %scan3A_12 : i32
    %scan3A_14 = arith.constant 1 : i32
    %scan3A_15 = scf.for %scan3A_17 = %scan3A_11 to %scan3A_13 step %scan3A_14 iter_args(%scan3A_18 = %scan3A_10) -> (i32)  : i32 {
      %mul3A_19 = arith.constant 16 : i32
      %mul3A_20 = arith.muli %scan3A_17, %mul3A_19 : i32
      %get3A = arith.index_cast %mul3A_20 : i32 to index
      %get3A_21 = tpu.vector_load %arg4[%get3A] {strides = array<i32>} : memref<5120xi32, #tpu.memory_space<vmem>>, vector<16xi32>,
      tpu.vector_store_idx %arg5[%get3A_21], %broadcast_in_dim3A_9 {add = true} : memref<10240xf32, #tpu.memory_space<vmem>>[vector<16xi32>], vector<16xf32>,
      %scan3A_22 = arith.constant 0 : i32
      scf.yield %scan3A_22 : i32
    }
    %scan3A_16 = arith.constant 320 : i32
    "tpu.region"() ({
      %run_scoped3A = tpu.sem_alloc : memref<!tpu.dma_semaphore, #tpu.memory_space<semaphore_mem>>
      %dma_start3A = arith.constant 0 : i32
      %dma_start3A_17 = tpu.memref_slice %arg3[%add3A, %dma_start3A] : memref<32x10240xf32, #tpu.memory_space<hbm>> -> memref<1x10240xf32, #tpu.memory_space<hbm>>
      %dma_start3A_18 = tpu.memref_squeeze %dma_start3A_17 : memref<1x10240xf32, #tpu.memory_space<hbm>> -> memref<10240xf32, #tpu.memory_space<hbm>>
      %dma_start3A_19 = arith.constant 0 : i32
      %dma_start3A_20 = tpu.memref_slice %arg3[%add3A, %dma_start3A_19] : memref<32x10240xf32, #tpu.memory_space<hbm>> -> memref<1x10240xf32, #tpu.memory_space<hbm>>
      %dma_start3A_21 = tpu.memref_squeeze %dma_start3A_20 : memref<1x10240xf32, #tpu.memory_space<hbm>> -> memref<10240xf32, #tpu.memory_space<hbm>>
      tpu.enqueue_dma source(%arg5 : memref<10240xf32, #tpu.memory_space<vmem>>) target(%dma_start3A_21 : memref<10240xf32, #tpu.memory_space<hbm>>) target_semaphore(%run_scoped3A : memref<!tpu.dma_semaphore, #tpu.memory_space<semaphore_mem>>)
      %dma_wait3A = arith.constant 0 : i32
      %dma_wait3A_22 = tpu.memref_slice %arg3[%add3A, %dma_wait3A] : memref<32x10240xf32, #tpu.memory_space<hbm>> -> memref<1x10240xf32, #tpu.memory_space<hbm>>
      %dma_wait3A_23 = tpu.memref_squeeze %dma_wait3A_22 : memref<1x10240xf32, #tpu.memory_space<hbm>> -> memref<10240xf32, #tpu.memory_space<hbm>>
      %dma_wait3A_24 = arith.constant 0 : i32
      %dma_wait3A_25 = tpu.memref_slice %arg3[%add3A, %dma_wait3A_24] : memref<32x10240xf32, #tpu.memory_space<hbm>> -> memref<1x10240xf32, #tpu.memory_space<hbm>>
      %dma_wait3A_26 = tpu.memref_squeeze %dma_wait3A_25 : memref<1x10240xf32, #tpu.memory_space<hbm>> -> memref<10240xf32, #tpu.memory_space<hbm>>
      tpu.wait_dma2 semaphore(%run_scoped3A : memref<!tpu.dma_semaphore, #tpu.memory_space<semaphore_mem>>) src(%arg5 : memref<10240xf32, #tpu.memory_space<vmem>>) dst(%dma_wait3A_26 : memref<10240xf32, #tpu.memory_space<hbm>>)
      tpu.yield
    }) : () -> ()
    return
  }
}

module attributes {stable_mosaic.version = 14 : i64} {
  func.func @_tc1_body(%arg0: i32, %arg1: memref<2048x256xf32, #tpu.memory_space<vmem>>, %arg2: memref<256x128xf32, #tpu.memory_space<vmem>>, %arg3: memref<32x2048xf32, #tpu.memory_space<vmem>>, %arg4: memref<2048x128xf32, #tpu.memory_space<vmem>>, %arg5: memref<2048xf32, #tpu.memory_space<vmem>>) attributes {dimension_semantics = [#tpu.dimension_semantics<arbitrary>], iteration_bounds = array<i64: 5>, scalar_prefetch = 0 : i64, scratch_operands = 0 : i64, tpu.core_type = #tpu.core_type<tc>, window_params = [{transform_indices = @transform_0, window_bounds = array<i64: 2048, 256>}, {pipeline_mode = #tpu.pipeline_mode<synchronous>, transform_indices = @transform_1, window_bounds = array<i64: 256, 128>}, {transform_indices = @transform_2, window_bounds = array<i64: 32, 2048>}, {transform_indices = @transform_3, window_bounds = array<i64: 2048, 128>}, {transform_indices = @transform_4, window_bounds = array<i64: 2048>}]} {
    %get3A = arith.constant 0 : index
    %get3A_0 = arith.constant 0 : index
    %get3A_1 = vector.load %arg3[%get3A, %get3A_0] : memref<32x2048xf32, #tpu.memory_space<vmem>>, vector<32x2048xf32>
    %reduce_sum3A = arith.constant dense<0.000000e+00> : vector<2048xf32>
    %reduce_sum3A_2 = vector.multi_reduction <add>, %get3A_1, %reduce_sum3A [0] : vector<32x2048xf32> to vector<2048xf32>
    %add3A = arith.constant 1.000000e+00 : f32
    %add3A_3 = vector.broadcast %add3A : f32 to vector<2048xf32>
    %add3A_4 = arith.addf %reduce_sum3A_2, %add3A_3 : vector<2048xf32>
    %max3A = arith.constant 9.99999996E-13 : f32
    %max3A_5 = vector.broadcast %max3A : f32 to vector<2048xf32>
    %max3A_6 = arith.maximumf %add3A_4, %max3A_5 : vector<2048xf32>
    %rsqrt3A = math.rsqrt %max3A_6 : vector<2048xf32>
    %get3A_7 = arith.constant 0 : index
    %get3A_8 = arith.constant 0 : index
    %get3A_9 = vector.load %arg1[%get3A_7, %get3A_8] : memref<2048x256xf32, #tpu.memory_space<vmem>>, vector<2048x256xf32>
    %get3A_10 = arith.constant 0 : index
    %get3A_11 = arith.constant 0 : index
    %get3A_12 = vector.load %arg2[%get3A_10, %get3A_11] : memref<256x128xf32, #tpu.memory_space<vmem>>, vector<256x128xf32>
    %dot_general3A = arith.constant dense<0.000000e+00> : vector<2048x128xf32>
    %dot_general3A_13 = tpu.matmul %get3A_9, %get3A_12, %dot_general3A {dimension_numbers = #tpu.dot_dimension_numbers<[1], [0], [0], [1], [0, 0, 1, 1], [], []>, transpose_lhs_hint = false} : vector<2048x256xf32>, vector<256x128xf32>, vector<2048x128xf32> -> vector<2048x128xf32>
    %broadcast_in_dim3A = vector.shape_cast %rsqrt3A : vector<2048xf32> to vector<2048x1xf32>
    %mul3A = vector.broadcast %broadcast_in_dim3A : vector<2048x1xf32> to vector<2048x128xf32>
    %mul3A_14 = arith.mulf %dot_general3A_13, %mul3A : vector<2048x128xf32>
    %swap3A = arith.constant 0 : index
    %swap3A_15 = arith.constant 0 : index
    %swap3A_16 = vector.load %arg4[%swap3A, %swap3A_15] : memref<2048x128xf32, #tpu.memory_space<vmem>>, vector<2048x128xf32>
    tpu.vector_store %arg4[%swap3A, %swap3A_15], %mul3A_14 {strides = array<i32>} : memref<2048x128xf32, #tpu.memory_space<vmem>>, vector<2048x128xf32>,
    %swap3A_17 = arith.constant 0 : index
    %swap3A_18 = vector.load %arg5[%swap3A_17] : memref<2048xf32, #tpu.memory_space<vmem>>, vector<2048xf32>
    tpu.vector_store %arg5[%swap3A_17], %rsqrt3A {strides = array<i32>} : memref<2048xf32, #tpu.memory_space<vmem>>, vector<2048xf32>,
    return
  }
  func.func @transform_0(%arg0: i32) -> (i32, i32) {
    %c0_i32 = arith.constant 0 : i32
    %c0_i32_0 = arith.constant 0 : i32
    return %arg0, %c0_i32 : i32, i32
  }
  func.func @transform_1(%arg0: i32) -> (i32, i32) {
    %c0_i32 = arith.constant 0 : i32
    %c0_i32_0 = arith.constant 0 : i32
    %c0_i32_1 = arith.constant 0 : i32
    return %c0_i32, %c0_i32_0 : i32, i32
  }
  func.func @transform_2(%arg0: i32) -> (i32, i32) {
    %c0_i32 = arith.constant 0 : i32
    %c0_i32_0 = arith.constant 0 : i32
    return %c0_i32, %arg0 : i32, i32
  }
  func.func @transform_3(%arg0: i32) -> (i32, i32) {
    %c0_i32 = arith.constant 0 : i32
    %c0_i32_0 = arith.constant 0 : i32
    return %arg0, %c0_i32 : i32, i32
  }
  func.func @transform_4(%arg0: i32) -> i32 {
    %c0_i32 = arith.constant 0 : i32
    return %arg0 : i32
  }
}

module attributes {stable_mosaic.version = 14 : i64} {
  func.func @_tc2_body(%arg0: i32, %arg1: memref<2048x128xf32, #tpu.memory_space<vmem>>, %arg2: memref<2048x128xf32, #tpu.memory_space<vmem>>, %arg3: memref<2048x128xf32, #tpu.memory_space<vmem>>, %arg4: memref<2048xf32, #tpu.memory_space<vmem>>, %arg5: memref<1x128xf32, #tpu.memory_space<vmem>>, %arg6: memref<128x64xf32, #tpu.memory_space<vmem>>, %arg7: memref<64x1xf32, #tpu.memory_space<vmem>>, %arg8: memref<2048xf32, #tpu.memory_space<vmem>>) attributes {dimension_semantics = [#tpu.dimension_semantics<arbitrary>], iteration_bounds = array<i64: 5>, scalar_prefetch = 0 : i64, scratch_operands = 0 : i64, tpu.core_type = #tpu.core_type<tc>, window_params = [{transform_indices = @transform_0, window_bounds = array<i64: 2048, 128>}, {transform_indices = @transform_1, window_bounds = array<i64: 2048, 128>}, {transform_indices = @transform_2, window_bounds = array<i64: 2048, 128>}, {transform_indices = @transform_3, window_bounds = array<i64: 2048>}, {pipeline_mode = #tpu.pipeline_mode<synchronous>, transform_indices = @transform_4, window_bounds = array<i64: 1, 128>}, {pipeline_mode = #tpu.pipeline_mode<synchronous>, transform_indices = @transform_5, window_bounds = array<i64: 128, 64>}, {pipeline_mode = #tpu.pipeline_mode<synchronous>, transform_indices = @transform_6, window_bounds = array<i64: 64, 1>}, {transform_indices = @transform_7, window_bounds = array<i64: 2048>}]} {
    %get3A = arith.constant 0 : index
    %get3A_0 = vector.load %arg4[%get3A] : memref<2048xf32, #tpu.memory_space<vmem>>, vector<2048xf32>
    %get3A_1 = arith.constant 0 : index
    %get3A_2 = arith.constant 0 : index
    %get3A_3 = vector.load %arg1[%get3A_1, %get3A_2] : memref<2048x128xf32, #tpu.memory_space<vmem>>, vector<2048x128xf32>
    %get3A_4 = arith.constant 0 : index
    %get3A_5 = arith.constant 0 : index
    %get3A_6 = vector.load %arg2[%get3A_4, %get3A_5] : memref<2048x128xf32, #tpu.memory_space<vmem>>, vector<2048x128xf32>
    %add3A = arith.addf %get3A_3, %get3A_6 : vector<2048x128xf32>
    %get3A_7 = arith.constant 0 : index
    %get3A_8 = arith.constant 0 : index
    %get3A_9 = vector.load %arg3[%get3A_7, %get3A_8] : memref<2048x128xf32, #tpu.memory_space<vmem>>, vector<2048x128xf32>
    %add3A_10 = arith.addf %add3A, %get3A_9 : vector<2048x128xf32>
    %broadcast_in_dim3A = vector.shape_cast %get3A_0 : vector<2048xf32> to vector<2048x1xf32>
    %mul3A = vector.broadcast %broadcast_in_dim3A : vector<2048x1xf32> to vector<2048x128xf32>
    %mul3A_11 = arith.mulf %add3A_10, %mul3A : vector<2048x128xf32>
    %get3A_12 = arith.constant 0 : index
    %get3A_13 = arith.constant 0 : index
    %get3A_14 = vector.load %arg5[%get3A_12, %get3A_13] : memref<1x128xf32, #tpu.memory_space<vmem>>, vector<1x128xf32>
    %add3A_15 = vector.broadcast %get3A_14 : vector<1x128xf32> to vector<2048x128xf32>
    %add3A_16 = arith.addf %mul3A_11, %add3A_15 : vector<2048x128xf32>
    %max3A = arith.constant 0.000000e+00 : f32
    %max3A_17 = vector.broadcast %max3A : f32 to vector<2048x128xf32>
    %max3A_18 = arith.maximumf %add3A_16, %max3A_17 : vector<2048x128xf32>
    %get3A_19 = arith.constant 0 : index
    %get3A_20 = arith.constant 0 : index
    %get3A_21 = vector.load %arg6[%get3A_19, %get3A_20] : memref<128x64xf32, #tpu.memory_space<vmem>>, vector<128x64xf32>
    %get3A_22 = arith.constant 0 : index
    %get3A_23 = arith.constant 0 : index
    %get3A_24 = vector.load %arg7[%get3A_22, %get3A_23] : memref<64x1xf32, #tpu.memory_space<vmem>>, vector<64x1xf32>
    %dot_general3A = arith.constant dense<0.000000e+00> : vector<128x1xf32>
    %dot_general3A_25 = tpu.matmul %get3A_21, %get3A_24, %dot_general3A {dimension_numbers = #tpu.dot_dimension_numbers<[1], [0], [0], [1], [0, 0, 1, 1], [], []>, transpose_lhs_hint = false} : vector<128x64xf32>, vector<64x1xf32>, vector<128x1xf32> -> vector<128x1xf32>
    %dot_general3A_26 = arith.constant dense<0.000000e+00> : vector<2048x1xf32>
    %dot_general3A_27 = tpu.matmul %max3A_18, %dot_general3A_25, %dot_general3A_26 {dimension_numbers = #tpu.dot_dimension_numbers<[1], [0], [0], [1], [0, 0, 1, 1], [], []>, transpose_lhs_hint = false} : vector<2048x128xf32>, vector<128x1xf32>, vector<2048x1xf32> -> vector<2048x1xf32>
    %squeeze3A = vector.shape_cast %dot_general3A_27 : vector<2048x1xf32> to vector<2048xf32>
    %mul3A_28 = arith.mulf %squeeze3A, %get3A_0 : vector<2048xf32>
    %swap3A = arith.constant 0 : index
    %swap3A_29 = vector.load %arg8[%swap3A] : memref<2048xf32, #tpu.memory_space<vmem>>, vector<2048xf32>
    tpu.vector_store %arg8[%swap3A], %mul3A_28 {strides = array<i32>} : memref<2048xf32, #tpu.memory_space<vmem>>, vector<2048xf32>,
    return
  }
  func.func @transform_0(%arg0: i32) -> (i32, i32) {
    %c0_i32 = arith.constant 0 : i32
    %c0_i32_0 = arith.constant 0 : i32
    return %arg0, %c0_i32 : i32, i32
  }
  func.func @transform_1(%arg0: i32) -> (i32, i32) {
    %c0_i32 = arith.constant 0 : i32
    %c0_i32_0 = arith.constant 0 : i32
    return %arg0, %c0_i32 : i32, i32
  }
  func.func @transform_2(%arg0: i32) -> (i32, i32) {
    %c0_i32 = arith.constant 0 : i32
    %c0_i32_0 = arith.constant 0 : i32
    return %arg0, %c0_i32 : i32, i32
  }
  func.func @transform_3(%arg0: i32) -> i32 {
    %c0_i32 = arith.constant 0 : i32
    return %arg0 : i32
  }
  func.func @transform_4(%arg0: i32) -> (i32, i32) {
    %c0_i32 = arith.constant 0 : i32
    %c0_i32_0 = arith.constant 0 : i32
    %c0_i32_1 = arith.constant 0 : i32
    return %c0_i32, %c0_i32_0 : i32, i32
  }
  func.func @transform_5(%arg0: i32) -> (i32, i32) {
    %c0_i32 = arith.constant 0 : i32
    %c0_i32_0 = arith.constant 0 : i32
    %c0_i32_1 = arith.constant 0 : i32
    return %c0_i32, %c0_i32_0 : i32, i32
  }
  func.func @transform_6(%arg0: i32) -> (i32, i32) {
    %c0_i32 = arith.constant 0 : i32
    %c0_i32_0 = arith.constant 0 : i32
    %c0_i32_1 = arith.constant 0 : i32
    return %c0_i32, %c0_i32_0 : i32, i32
  }
  func.func @transform_7(%arg0: i32) -> i32 {
    %c0_i32 = arith.constant 0 : i32
    return %arg0 : i32
  }
}

module attributes {stable_mosaic.version = 14 : i64} {
  func.func @_tc3_body(%arg0: i32, %arg1: memref<32x10240xf32, #tpu.memory_space<vmem>>, %arg2: memref<10240xf32, #tpu.memory_space<vmem>>, %arg3: memref<10240xf32, #tpu.memory_space<vmem>>, %arg4: memref<64xf32, #tpu.memory_space<vmem>>, %arg5: memref<64xf32, #tpu.memory_space<vmem>>, %arg6: memref<1xf32, #tpu.memory_space<vmem>>, %arg7: memref<10240xf32, #tpu.memory_space<vmem>>) attributes {dimension_semantics = [#tpu.dimension_semantics<arbitrary>], iteration_bounds = array<i64: 1>, scalar_prefetch = 0 : i64, scratch_operands = 0 : i64, tpu.core_type = #tpu.core_type<tc>, window_params = [{pipeline_mode = #tpu.pipeline_mode<synchronous>, transform_indices = @transform_0, window_bounds = array<i64: 32, 10240>}, {pipeline_mode = #tpu.pipeline_mode<synchronous>, transform_indices = @transform_1, window_bounds = array<i64: 10240>}, {pipeline_mode = #tpu.pipeline_mode<synchronous>, transform_indices = @transform_2, window_bounds = array<i64: 10240>}, {pipeline_mode = #tpu.pipeline_mode<synchronous>, transform_indices = @transform_3, window_bounds = array<i64: 64>}, {pipeline_mode = #tpu.pipeline_mode<synchronous>, transform_indices = @transform_4, window_bounds = array<i64: 64>}, {pipeline_mode = #tpu.pipeline_mode<synchronous>, transform_indices = @transform_5, window_bounds = array<i64: 1>}, {pipeline_mode = #tpu.pipeline_mode<synchronous>, transform_indices = @transform_6, window_bounds = array<i64: 10240>}]} {
    %get3A = arith.constant 0 : index
    %get3A_0 = arith.constant 0 : index
    %get3A_1 = vector.load %arg1[%get3A, %get3A_0] : memref<32x10240xf32, #tpu.memory_space<vmem>>, vector<32x10240xf32>
    %reduce_sum3A = arith.constant dense<0.000000e+00> : vector<10240xf32>
    %reduce_sum3A_2 = vector.multi_reduction <add>, %get3A_1, %reduce_sum3A [0] : vector<32x10240xf32> to vector<10240xf32>
    %get3A_3 = arith.constant 0 : index
    %get3A_4 = vector.load %arg4[%get3A_3] : memref<64xf32, #tpu.memory_space<vmem>>, vector<64xf32>
    %get3A_5 = arith.constant 0 : index
    %get3A_6 = vector.load %arg5[%get3A_5] : memref<64xf32, #tpu.memory_space<vmem>>, vector<64xf32>
    %mul3A = arith.mulf %get3A_4, %get3A_6 : vector<64xf32>
    %reduce_sum3A_7 = vector.shape_cast %mul3A : vector<64xf32> to vector<1x64xf32>
    %reduce_sum3A_8 = arith.constant dense<0.000000e+00> : vector<1xf32>
    %reduce_sum3A_9 = vector.multi_reduction <add>, %reduce_sum3A_7, %reduce_sum3A_8 [1] : vector<1x64xf32> to vector<1xf32>
    %reduce_sum3A_10 = vector.shape_cast %reduce_sum3A_9 : vector<1xf32> to vector<1x1xf32>
    %reduce_sum3A_11 = vector.extract %reduce_sum3A_10[0, 0] : f32 from vector<1x1xf32>
    %get3A_12 = arith.constant 0 : index
    %get3A_13 = vector.load %arg6[%get3A_12] : memref<1xf32, #tpu.memory_space<vmem>>, vector<1xf32>
    %get3A_14 = vector.extract %get3A_13[0] : f32 from vector<1xf32>
    %add3A = arith.addf %reduce_sum3A_11, %get3A_14 : f32
    %get3A_15 = arith.constant 0 : index
    %get3A_16 = vector.load %arg3[%get3A_15] : memref<10240xf32, #tpu.memory_space<vmem>>, vector<10240xf32>
    %get3A_17 = arith.constant 0 : index
    %get3A_18 = vector.load %arg2[%get3A_17] : memref<10240xf32, #tpu.memory_space<vmem>>, vector<10240xf32>
    %add3A_19 = arith.addf %reduce_sum3A_2, %get3A_18 : vector<10240xf32>
    %mul3A_20 = arith.mulf %get3A_16, %add3A_19 : vector<10240xf32>
    %add3A_21 = vector.broadcast %add3A : f32 to vector<10240xf32>
    %add3A_22 = arith.addf %mul3A_20, %add3A_21 : vector<10240xf32>
    %swap3A = arith.constant 0 : index
    %swap3A_23 = vector.load %arg7[%swap3A] : memref<10240xf32, #tpu.memory_space<vmem>>, vector<10240xf32>
    tpu.vector_store %arg7[%swap3A], %add3A_22 {strides = array<i32>} : memref<10240xf32, #tpu.memory_space<vmem>>, vector<10240xf32>,
    return
  }
  func.func @transform_0(%arg0: i32) -> (i32, i32) {
    %c0_i32 = arith.constant 0 : i32
    %c0_i32_0 = arith.constant 0 : i32
    %c0_i32_1 = arith.constant 0 : i32
    return %c0_i32, %c0_i32_0 : i32, i32
  }
  func.func @transform_1(%arg0: i32) -> i32 {
    %c0_i32 = arith.constant 0 : i32
    %c0_i32_0 = arith.constant 0 : i32
    return %c0_i32 : i32
  }
  func.func @transform_2(%arg0: i32) -> i32 {
    %c0_i32 = arith.constant 0 : i32
    %c0_i32_0 = arith.constant 0 : i32
    return %c0_i32 : i32
  }
  func.func @transform_3(%arg0: i32) -> i32 {
    %c0_i32 = arith.constant 0 : i32
    %c0_i32_0 = arith.constant 0 : i32
    return %c0_i32 : i32
  }
  func.func @transform_4(%arg0: i32) -> i32 {
    %c0_i32 = arith.constant 0 : i32
    %c0_i32_0 = arith.constant 0 : i32
    return %c0_i32 : i32
  }
  func.func @transform_5(%arg0: i32) -> i32 {
    %c0_i32 = arith.constant 0 : i32
    %c0_i32_0 = arith.constant 0 : i32
    return %c0_i32 : i32
  }
  func.func @transform_6(%arg0: i32) -> i32 {
    %c0_i32 = arith.constant 0 : i32
    %c0_i32_0 = arith.constant 0 : i32
    return %c0_i32 : i32
  }
}

</mosaic_0001>

<sc_bundles>
// kernel: kernel.11.cloned.1.call-start
scs
__scs_entry_jumppad:
0x0: {  	(pc) =	sbr.rel $0x88, $3  }
0x1: {  	(tag) =	ssettag $0x0;
	lr =	simm.s32 $0x1  }
0x2: {  	[smem:$0x3F99] =	sst lr;
	_ =	strace $0xD0000000  }
0x3: {  	_ = 	snop  }
0x4: {  	_ = 	snop  }
0x5: {  	_ = 	snop  }
0x6: {  	_ = 	snop  }
0x7: {  	_ = 	snop  }
__scs_overlays_trampoline_lowered:
0x8: {  	[smem:$0x3FA8] =	sst s0  }
0x9: {  	[smem:$0x3FA9] =	sst s1  }
0xa: {  	[smem:$0x3FAA] =	sst s2  }
0xb: {  	[smem:$0x3FAB] =	sst s3  }
0xc: {  	[smem:$0x3FAC] =	sst s4  }
0xd: {  	[smem:$0x3FAD] =	sst s5  }
0xe: {  	[smem:$0x3FAE] =	sst s6  }
0xf: {  	[smem:$0x3FAF] =	sst s7  }
0x10: {  	[smem:$0x3FB0] =	sst s8  }
0x11: {  	[smem:$0x3FB1] =	sst s9;
	s0 =	simm.s32 @!p0 $0x0  }
0x12: {  	s1 =	sld [smem:$0x3F97];
	s0 =	simm.s32 @p0 $0x1  }
0x13: {  	[smem:$0x3FB2] =	sst s0;
	s0 =	simm.s32 @!p1 $0x0  }
0x14: {  	s2 =	sld [smem:$0x3F96];
	s0 =	simm.s32 @p1 $0x1  }
0x15: {  	[smem:$0x3FB3] =	sst s0;
	s0 =	simm.s32 @!p2 $0x0  }
0x16: {  	s3 =	sld [smem:$0x3FDB];
	s0 =	simm.s32 @p2 $0x1  }
0x17: {  	s4 =	simm.s32 $0x1BF5;
	[smem:$0x3FB5] =	sst s0  }
0x18: {  	s0 =	sld [smem:$0x3F98];
	_ =	swait.ge [sflag:s4], $0x0  }
0x19: {  	s7 =	sld [smem:$0x3F99]  }
0x1a: {  	s8 =	sadd.s32 $0xFFFFE003, lr  }
0x1b: {  	s9 =	sadd.s32 $0xFFFFFEF7, lr;
	s5 =	simm.s32 $0xFFFFFFFF;
	p2 =	slt.u32 s8, $0xFFFFF086  }
0x1c: {  	p1 =	slt.u32 s9, $0xF7A;
	s5 =	simm.s32 @!p2 $0x0  }
0x1d: {  	s5 =	simm.s32 @p1 $0x1;
	p0 =	seq.s32 s7, s2  }
0x1e: {  	s7 =	smul.u32 @!p0 $0xF7A, s2;
	p2 =	seq.s32 @!p0 s5, $0x0  }
0x1f: {  	s9 =	smul.u32 $0xF7A, s1;
	s8 =	simm.s32 @!p0 $0x1BF5;
	p2 =	por !p2, p0  }
0x20: {  	[sflag:s8] =	ssyncset.s32 @!p0 $0xFFFFF086;
	s6 =	sadd.s32 @!p0 s3, s7;
	s7 =	simm.s32 @!p0 $0x108  }
0x21: {  	s3 =	sadd.s32 s3, s9;
	s6 =	sadd.s32 @!p0 $0x88, s6;
	s7 =	simm.s32 @p2 $0x1082  }
0x22: {  	[simem:s7], [sflag:s8] =	dma.local @!p0 [hbm:s6], $0xF7A  }
0x23: {  	s9 =	sor.u32 $0xD0000000, s2;
	s6 =	simm.s32 $0x108;
	_ =	swait.ge @!p0 [sflag:s8], $0x0  }
0x24: {  	s3 =	sadd.s32 $0x88, s3;
	s6 =	simm.s32 @!p1 $0x1082;
	[sflag:s4] =	ssyncset.s32 $0xFFFFF086  }
0x25: {  	[simem:s6], [sflag:s4] =	dma.local [hbm:s3], $0xF7A  }
0x26: {  	[smem:$0x3F99] =	sst s1;
	(tag) =	ssettag s2;
	_ =	strace s9  }
0x27: {  	s1 =	sld [smem:$0x3FA9]  }
0x28: {  	s2 =	sld [smem:$0x3FAA]  }
0x29: {  	s4 =	sld [smem:$0x3FAC]  }
0x2a: {  	p0 =	seq.s32 s5, $0x0;
	s5 =	sld [smem:$0x3FAD]  }
0x2b: {  	s6 =	sld [smem:$0x3FAE]  }
0x2c: {  	s7 =	sld [smem:$0x3FAF]  }
0x2d: {  	s3 =	simm.s32 $0x108;
	s8 =	sld [smem:$0x3FB0]  }
0x2e: {  	s3 =	simm.s32 @!p0 $0x1082;
	s9 =	sld [smem:$0x3FB1]  }
0x2f: {  	lr =	sadd.s32 s0, s3;
	s0 =	sld [smem:$0x3FA8]  }
0x30: {  	s3 =	sld [smem:$0x3FAB]  }
0x31: {  	[smem:$0x3FB4] =	sst s10  }
0x32: {  	s10 =	sld [smem:$0x3FB2];
	_ =	sdelay $0x3  }
0x33: {  	p0 =	seq.s32 s10, $0x1;
	s10 =	sld [smem:$0x3FB4];
	_ =	sdelay $0x3  }
0x34: {  	[smem:$0x3FB4] =	sst s10  }
0x35: {  	s10 =	sld [smem:$0x3FB3];
	_ =	sdelay $0x3  }
0x36: {  	p1 =	seq.s32 s10, $0x1;
	s10 =	sld [smem:$0x3FB4];
	_ =	sdelay $0x3  }
0x37: {  	[smem:$0x3FB4] =	sst s10  }
0x38: {  	s10 =	sld [smem:$0x3FB5]  }
0x39: {  	_ = 	snop;
	(pc) =	sbr.ind lr, $3  }
0x3a: {  	_ = 	snop  }
0x3b: {  	_ = 	snop  }
0x3c: {  	p2 =	seq.s32 s10, $0x1;
	s10 =	sld [smem:$0x3FB4]  }
0x3d: {  	_ =	shalt  }
0x3e: {  	_ =	shalt  }
0x3f: {  	_ =	shalt  }
0x40: {  	_ =	shalt  }
0x41: {  	_ =	shalt  }
0x42: {  	_ =	shalt  }
0x43: {  	_ =	shalt  }
0x44: {  	_ =	shalt  }
0x45: {  	_ =	shalt  }
0x46: {  	_ =	shalt  }
0x47: {  	_ =	shalt  }
0x48: {  	_ =	shalt  }
0x49: {  	_ =	shalt  }
0x4a: {  	_ =	shalt  }
0x4b: {  	_ =	shalt  }
0x4c: {  	_ =	shalt  }
0x4d: {  	_ =	shalt  }
0x4e: {  	_ =	shalt  }
0x4f: {  	_ =	shalt  }
0x50: {  	_ =	shalt  }
0x51: {  	_ =	shalt  }
0x52: {  	_ =	shalt  }
0x53: {  	_ =	shalt  }
0x54: {  	_ =	shalt  }
0x55: {  	_ =	shalt  }
0x56: {  	_ =	shalt  }
0x57: {  	_ =	shalt  }
0x58: {  	_ =	shalt  }
0x59: {  	_ =	shalt  }
0x5a: {  	_ =	shalt  }
0x5b: {  	_ =	shalt  }
0x5c: {  	_ =	shalt  }
0x5d: {  	_ =	shalt  }
0x5e: {  	_ =	shalt  }
0x5f: {  	_ =	shalt  }
0x60: {  	_ =	shalt  }
0x61: {  	_ =	shalt  }
0x62: {  	_ =	shalt  }
0x63: {  	_ =	shalt  }
0x64: {  	_ =	shalt  }
0x65: {  	_ =	shalt  }
0x66: {  	_ =	shalt  }
0x67: {  	_ =	shalt  }
0x68: {  	_ =	shalt  }
0x69: {  	_ =	shalt  }
0x6a: {  	_ =	shalt  }
0x6b: {  	_ =	shalt  }
0x6c: {  	_ =	shalt  }
0x6d: {  	_ =	shalt  }
0x6e: {  	_ =	shalt  }
0x6f: {  	_ =	shalt  }
0x70: {  	_ =	shalt  }
0x71: {  	_ =	shalt  }
0x72: {  	_ =	shalt  }
0x73: {  	_ =	shalt  }
0x74: {  	_ =	shalt  }
0x75: {  	_ =	shalt  }
0x76: {  	_ =	shalt  }
0x77: {  	_ =	shalt  }
0x78: {  	_ =	shalt  }
0x79: {  	_ =	shalt  }
0x7a: {  	_ =	shalt  }
0x7b: {  	_ =	shalt  }
0x7c: {  	_ =	shalt  }
0x7d: {  	_ =	shalt  }
0x7e: {  	_ =	shalt  }
0x7f: {  	_ =	shalt  }
0x80: {  	_ =	shalt  }
0x81: {  	_ =	shalt  }
0x82: {  	_ =	shalt  }
0x83: {  	_ =	shalt  }
0x84: {  	_ =	shalt  }
0x85: {  	_ =	shalt  }
0x86: {  	_ =	shalt  }
0x87: {  	_ =	shalt  }
.Lfunc_end0:
.L_simem_size_0:
called_computation.1_lowered:
.L_overlay_start_0:
0x88: {  	s2 =	sld [smem:$0x3FD9]  }
0x89: {  	s3 =	sld [smem:$0x3FFE];
	_ =	sdelay $0x1  }
0x8a: {  	s1 =	srdreg.scid  }
0x8b: {  	s0 =	sand.u32 $0x1, s1  }
0x8c: {  	s16 =	sshll.u32 s0, $0xA;
	s2 =	sadd.s32 s3, s2  }
0x8d: {  	s2 =	sadd.s32 s2, s16  }
0x8e: {  	[smem:$0x3FC0] =	sst s2  }
0x8f: {  	_ = 	snop  }
0x90: {  	(tm) =	ssettm $0x1  }
0x91: {  	s17 =	sld [smem:$0x3FFB];
	_ =	sdelay $0x3  }
0x92: {  	_ =	strace s17  }
0x93: {  	s2 =	sld [smem:$0x3FFC];
	_ =	sdelay $0x3  }
0x94: {  	_ =	strace s2  }
0x95: {  	s2 =	sld [smem:$0x3FFD];
	_ =	sdelay $0x3  }
0x96: {  	_ =	strace s2  }
0x97: {  	_ =	strace $0x8FFFFFFF  }
0x98: {  	s18 =	sld [smem:$0x3FDB];
	_ =	sdelay $0x1  }
0x99: {  	s19 =	simm.s32 $_scs_section_size  }
0x9a: {  	s4 =	simm.s32 $_size__tile_overlayer_lowered;
	s5 =	simm.s32 $_tile_overlayer_lowered  }
0x9b: {  	s22 =	simm.s32 $0x1BFF;
	s21 =	sshll.u32 s5, $0x1;
	s2 =	sadd.s32 s19, s18  }
0x9c: {  	s6 =	simm.s32 $0x0;
	s20 =	sshll.u32 s4, $0x1;
	s4 =	sadd.s32 s21, s2  }
0x9d: {  	[timem:s6], [sflag:s22] =	dma.local [hbm:s4], s20  }
0x9e: {  	_ =	swait.ge [sflag:s22], s20  }
0x9f: {  	s3 =	ssub.s32 $0x0, s20;
	[sflag:s22] =	ssyncset.done $0x0  }
0xa0: {  	[sflag:s22] =	ssyncadd.s32 s3;
	_ =	sdelay $0x1  }
0xa1: {  	s23 =	simm.s32 $0x1B8B  }
0xa2: {  	_ =	swait.ge [sflag:s23], $0x1  }
0xa3: {  	[sflag:s23] =	ssyncset.done $0x0  }
0xa4: {  	s25 =	simm.s32 $0x1B8E;
	s24 =	sld [smem:$0x3FFE];
	[sflag:s23] =	ssyncadd.s32 $0xFFFFFFFF  }
0xa5: {  	s26 =	simm.s32 $execute0_lowered;
	[smem:$0x3FD2] =	sst s25  }
0xa6: {  	s4 =	sshll.u32 s26, $0x1;
	_ =	strace $0x80000049;
	[dreg:$0x1] =	wrdreg $0xFFFFFFFF  }
0xa7: {  	s28 =	simm.s32 $_size_execute0_lowered;
	s2 =	sadd.s32 s2, s4;
	[dreg:$0x0] =	wrdreg $0x0  }
0xa8: {  	s4 =	sshll.u32 s28, $0x1;
	[dreg:$0x2] =	wrdreg s2  }
0xa9: {  	[dreg:$0x3] =	wrdreg s4  }
0xaa: {  	[dreg:$0x4] =	wrdreg $0xC0  }
0xab: {  	_ =	task [dreg:s6], $0x5FFFF  }
0xac: {  	[dreg:$0x1] =	wrdreg $0xFFFFFFFF  }
0xad: {  	[dreg:$0x0] =	wrdreg $0x60  }
0xae: {  	[dreg:$0x2] =	wrdreg s24  }
0xaf: {  	[dreg:$0x3] =	wrdreg $0xA8000  }
0xb0: {  	[dreg:$0x4] =	wrdreg $0x9  }
0xb1: {  	_ =	task.clear_ibuf [dreg:s6], $0x5FFFF;
	_ =	strace $0x90000049  }
0xb2: {  	s29 =	simm.s32 $0x9;
	_ =	strace $0x8000004B  }
0xb3: {  	_ =	swait.ge [sflag:s29], $0x1  }
0xb4: {  	[sflag:s29] =	ssyncadd.s32 $0xFFFFFFFF  }
0xb5: {  	_ =	strace $0x9000004B  }
0xb6: {  	_ =	sfence  }
0xb7: {  	s30 =	sld [smem:$0x0];
	_ =	sdelay $0x2  }
0xb8: {  	s31 =	sshll.u32 s1, $0xD;
	s1 =	sshrl.u32 s1, $0x2  }
0xb9: {  	s3 =	sand.u32 $0x4000, s31;
	s1 =	sadd.s32 s1, s30  }
0xba: {  	s0 =	sor.u32 s3, s0;
	s1 =	sshll.u32 s1, $0x11  }
0xbb: {  	s0 =	sor.u32 s1, s0  }
0xbc: {  	s0 =	sadd.s32 $0x8F2B, s0  }
0xbd: {  	[sflag:s0] =	ssyncadd.remote.s32 $0x1  }
0xbe: {  	_ =	sfence.sel $0xFFFF  }
0xbf: {  	[dreg:$0x0] =	wrdreg $0xFFFFFFFF;
	(pc) =	sbr.abs _section_cstart, $3  }
0xc0: {  	[dreg:$0x1] =	wrdreg $0xFFFFFFFF  }
0xc1: {  	_ =	task.clear_ibuf [dreg:s6], $0x2FFFF;
	_ =	strace $0x9FFFFFFF  }
0xc2: {  	(tm) =	ssettm $0x7FFFFFFF  }
0xc3: {  	_ =	shalt  }
tec
execute0_lowered:
.L_overlay_start_1:
0x0: {  	(tag) =	ssettag $0x1  }
0x1: {  	s0 =	rddreg [dreg:$0x0]  }
0x2: {  	s2 =	rddreg [dreg:$0x1]  }
0x3: {  	s1 =	srdreg.scid;
	s3 =	simm.s32 $0x0;
	s9 =	stileid.u32  }
0x4: {  	s18 =	simm.s32 $0x2800;
	s19 =	simm.s32 $0x9;
	s20 =	simm.s32 $0x40  }
0x5: {  	s28 =	simm.s32 $0x1;
	s29 =	simm.s32 $0x2;
	s31 =	simm.s32 $0x5  }
0x6: {  	s30 =	simm.s32 $0x4;
	s21 =	simm.s32 $0x7;
	s5 =	smul.u32 $0x50000, s9  }
0x7: {  	s1 =	sand.u32 $0x1, s1;
	[smem:$0x7FF] =	sst s3;
	s17 =	smul.u32 $0x2800, s9  }
0x8: {  	s4 =	sshll.u32 s1, $0x4;
	_ =	strace $0x8000004A;
	s7 =	ssub.s32 $0x2, s1  }
0x9: {  	p0 =	seq.s32 s1, $0x1;
	s1 =	simm.s32 $0x71200;
	s4 =	sor.u32 s9, s4  }
0xa: {  	s5 =	sshrl.u32 s5, $0x2;
	s8 =	sshrl.u32 s7, $0x1;
	s1 =	simm.s32 @!p0 $0x49200  }
0xb: {  	s6 =	smul.u32 $0x500, s4;
	s4 =	sadd.s32 $0x21200, s0;
	s5 =	sadd.s32 s5, s2  }
0xc: {  	s16 =	ssub.s32 s7, s8;
	s22 =	sadd.s32 $0x2000, s5;
	s23 =	sadd.s32 $0x4000, s5  }
0xd: {  	s24 =	sadd.s32 $0x6000, s5;
	s25 =	sadd.s32 $0x8000, s5;
	[dreg:$0x3] =	wrdreg s22  }
0xe: {  	s26 =	sadd.s32 $0xA000, s5;
	s11 =	sadd.s32 $0xC000, s5;
	[dreg:$0x4] =	wrdreg s23  }
0xf: {  	s12 =	sadd.s32 $0xE000, s5;
	s13 =	sadd.s32 $0x10000, s5;
	[dreg:$0x5] =	wrdreg s24  }
.Ltmp0:
0x10: {  	s14 =	sadd.s32 $0x12000, s5;
	[dreg:$0x6] =	wrdreg s25;
	(pc) =	sbr.rel .LBB2_1-.Ltmp0, $4  }
0x11: {  	s16 =	smax.u32 s16, $0x1;
	s6 =	sadd.s32 s6, s0;
	[dreg:$0x7] =	wrdreg s26  }
0x12: {  	s0 =	sadd.s32 s1, s0;
	s22 =	simm.s32 $0x4800;
	s24 =	simm.s32 $0x6800  }
0x13: {  	s26 =	simm.s32 $0x8800;
	s1 =	simm.s32 $0x3;
	s23 =	simm.s32 $0x6  }
0x14: {  	v0 =	vimm.f32 $0.0e+00;
	s15 =	sadd.s32 $0x17200, s6;
	s17 =	sadd.s32 s0, s17;
	s0 =	simm.s32 $0x8  }
.LBB2_6:
0x15: {  	_ =	swait.ge [sflag:s31], $0x2000  }
0x16: {  	[sflag:s31] =	ssyncset.done $0x0  }
0x17: {  	[sflag:s31] =	ssyncadd.s32 $0xFFFFE000  }
0x18: {  	_ =	swait.ge [sflag:s23], $0x2000  }
0x19: {  	[sflag:s23] =	ssyncset.done $0x0  }
0x1a: {  	[sflag:s23] =	ssyncadd.s32 $0xFFFFE000  }
0x1b: {  	_ =	swait.ge [sflag:s21], $0x2000  }
0x1c: {  	[sflag:s21] =	ssyncset.done $0x0  }
0x1d: {  	[sflag:s21] =	ssyncadd.s32 $0xFFFFE000  }
0x1e: {  	s6 =	stileid.u32;
	_ =	swait.ge [sflag:s0], $0x2000  }
0x1f: {  	s7 =	sshrl.u32 s5, $0x3;
	s3 =	sadd.s32 $0x1, s3;
	[sflag:s0] =	ssyncset.done $0x0  }
0x20: {  	s6 =	sshll.u32 s6, $0x6;
	p0 =	sne.s32 s3, s16;
	[sflag:s0] =	ssyncadd.s32 $0xFFFFE000  }
.Ltmp1:
0x21: {  	s6 =	sor.u32 $0x1C09, s6;
	[bflag:$0x0] =	sbarrier.arrive $0xFFFF;
	(pc) =	sbr.rel @!p0 .LBB2_7-.Ltmp1, $4  }
0x22: {  	[hbm:s17], [sflag:s6] =	dma.local [spmem:s7], $0x2800  }
0x23: {  	_ =	swait.ge [sflag:s19], $0x2800  }
0x24: {  	[sflag:s19] =	ssyncset.done $0x0  }
0x25: {  	[sflag:s19] =	ssyncadd.s32 $0xFFFFD800  }
.LBB2_1:
0x26: {  	s6 =	simm.s32 $0x0;
	s25 =	simm.s32 $0x200  }
.LBB2_2:
0x27: {  	p0 =	sne.s32 s25, $0x7E00;
	[tilespmem:s6+$0x2870] =	vst v0  }
0x28: {  	[tilespmem:s6+$0x2800] =	vst v0  }
0x29: {  	[tilespmem:s6+$0x2810] =	vst v0  }
.Ltmp2:
0x2a: {  	[tilespmem:s6+$0x2820] =	vst v0;
	(pc) =	sbr.rel @p0 .LBB2_2-.Ltmp2, $4  }
0x2b: {  	[tilespmem:s6+$0x2830] =	vst v0  }
0x2c: {  	[tilespmem:s6+$0x2840] =	vst v0  }
0x2d: {  	[tilespmem:s6+$0x2850] =	vst v0  }
0x2e: {  	[tilespmem:s6+$0x2860] =	vst v0;
	s6 =	sshra.s32 s25, $0x2;
	s25 =	sadd.s32 $0x200, s25  }
0x2f: {  	[tilespmem:s6+$0x2870] =	vst v0  }
0x30: {  	[tilespmem:s6+$0x2800] =	vst v0  }
0x31: {  	[tilespmem:s6+$0x2810] =	vst v0  }
0x32: {  	[tilespmem:s6+$0x2820] =	vst v0  }
0x33: {  	[tilespmem:s6+$0x2830] =	vst v0  }
0x34: {  	[tilespmem:s6+$0x2840] =	vst v0  }
0x35: {  	[tilespmem:s6+$0x2850] =	vst v0  }
0x36: {  	[tilespmem:s6+$0x2860] =	vst v0  }
0x37: {  	[spmem:s5] =	stream.linear.scatter [tilespmem:s18], [sflag:$0x9], $0x2000, $0x38;
	[tilespmem:$0x1E800] =	vst v63  }
0x38: {  	_ =	swait.ge [sflag:s19], $0x2000  }
0x39: {  	[sflag:s19] =	ssyncset.done $0x0  }
0x3a: {  	s10 =	rddreg [dreg:$0x3];
	[sflag:s19] =	ssyncadd.s32 $0xFFFFE000  }
0x3b: {  	[spmem:s10] =	stream.linear.scatter [tilespmem:s18], [sflag:$0x9], $0x2000, $0x38;
	[tilespmem:$0x1E800] =	vst v63  }
0x3c: {  	_ =	swait.ge [sflag:s19], $0x2000  }
0x3d: {  	[sflag:s19] =	ssyncset.done $0x0  }
0x3e: {  	s25 =	rddreg [dreg:$0x4];
	[sflag:s19] =	ssyncadd.s32 $0xFFFFE000  }
0x3f: {  	[spmem:s25] =	stream.linear.scatter [tilespmem:s18], [sflag:$0x9], $0x2000, $0x38;
	[tilespmem:$0x1E800] =	vst v63  }
0x40: {  	_ =	swait.ge [sflag:s19], $0x2000  }
0x41: {  	[sflag:s19] =	ssyncset.done $0x0  }
0x42: {  	s7 =	rddreg [dreg:$0x5];
	[sflag:s19] =	ssyncadd.s32 $0xFFFFE000  }
0x43: {  	[spmem:s7] =	stream.linear.scatter [tilespmem:s18], [sflag:$0x9], $0x2000, $0x38;
	[tilespmem:$0x1E800] =	vst v63  }
0x44: {  	_ =	swait.ge [sflag:s19], $0x2000  }
0x45: {  	[sflag:s19] =	ssyncset.done $0x0  }
0x46: {  	s8 =	rddreg [dreg:$0x6];
	[sflag:s19] =	ssyncadd.s32 $0xFFFFE000  }
0x47: {  	[spmem:s8] =	stream.linear.scatter [tilespmem:s18], [sflag:$0x9], $0x2000, $0x38;
	[tilespmem:$0x1E800] =	vst v63  }
0x48: {  	_ =	swait.ge [sflag:s19], $0x2000  }
0x49: {  	[sflag:s19] =	ssyncset.done $0x0  }
0x4a: {  	s9 =	rddreg [dreg:$0x7];
	[sflag:s19] =	ssyncadd.s32 $0xFFFFE000  }
0x4b: {  	[spmem:s9] =	stream.linear.scatter [tilespmem:s18], [sflag:$0x9], $0x2000, $0x38;
	[tilespmem:$0x1E800] =	vst v63  }
0x4c: {  	_ =	swait.ge [sflag:s19], $0x2000  }
0x4d: {  	[sflag:s19] =	ssyncset.done $0x0  }
0x4e: {  	[sflag:s19] =	ssyncadd.s32 $0xFFFFE000  }
0x4f: {  	[spmem:s11] =	stream.linear.scatter [tilespmem:s18], [sflag:$0x9], $0x2000, $0x38;
	[tilespmem:$0x1E800] =	vst v63  }
0x50: {  	_ =	swait.ge [sflag:s19], $0x2000  }
0x51: {  	[sflag:s19] =	ssyncset.done $0x0  }
0x52: {  	[sflag:s19] =	ssyncadd.s32 $0xFFFFE000  }
0x53: {  	[spmem:s12] =	stream.linear.scatter [tilespmem:s18], [sflag:$0x9], $0x2000, $0x38;
	[tilespmem:$0x1E800] =	vst v63  }
0x54: {  	_ =	swait.ge [sflag:s19], $0x2000  }
0x55: {  	[sflag:s19] =	ssyncset.done $0x0  }
0x56: {  	[sflag:s19] =	ssyncadd.s32 $0xFFFFE000  }
0x57: {  	[spmem:s13] =	stream.linear.scatter [tilespmem:s18], [sflag:$0x9], $0x2000, $0x38;
	[tilespmem:$0x1E800] =	vst v63  }
0x58: {  	_ =	swait.ge [sflag:s19], $0x2000  }
0x59: {  	[sflag:s19] =	ssyncset.done $0x0  }
0x5a: {  	[sflag:s19] =	ssyncadd.s32 $0xFFFFE000  }
0x5b: {  	[spmem:s14] =	stream.linear.scatter [tilespmem:s18], [sflag:$0x9], $0x2000, $0x38;
	[tilespmem:$0x1E800] =	vst v63  }
0x5c: {  	_ =	swait.ge [sflag:s19], $0x2000  }
0x5d: {  	[sflag:s19] =	ssyncset.done $0x0  }
0x5e: {  	s25 =	simm.s32 $0x0;
	[sflag:s19] =	ssyncadd.s32 $0xFFFFE000  }
0x5f: {  	[tilespmem:s25], [sflag:$0x9] =	stream.linear.gather [hbm4b:s15+s25], $0x2800, $0x38;
	[tilespmem:$0x1E800] =	vst v63  }
0x60: {  	_ =	swait.ge [sflag:s19], $0x2800  }
0x61: {  	[sflag:s19] =	ssyncset.done $0x0  }
0x62: {  	[sflag:s19] =	ssyncadd.s32 $0xFFFFD800  }
0x63: {  	[bflag:$0x0] =	sbarrier.arrive $0xFFFF  }
0x64: {  	[tilespmem:s18], [sflag:$0x1] =	stream.indirect.gather [hbm4b:s4+s20], $0x80, s25, s20, $0xb8;
	[tilespmem:$0x1E800] =	vst v63  }
0x65: {  	s10 =	simm.s32 $0x80  }
0x66: {  	[tilespmem:s22], [sflag:$0x2] =	stream.indirect.gather [hbm4b:s4+s20], $0x80, s10, s20, $0xb8;
	[tilespmem:$0x1E800] =	vst v63  }
0x67: {  	s7 =	simm.s32 $0x100  }
0x68: {  	[tilespmem:s24], [sflag:$0x3] =	stream.indirect.gather [hbm4b:s4+s20], $0x80, s7, s20, $0xb8;
	[tilespmem:$0x1E800] =	vst v63  }
0x69: {  	s8 =	simm.s32 $0x180  }
0x6a: {  	[tilespmem:s26], [sflag:$0x4] =	stream.indirect.gather [hbm4b:s4+s20], $0x80, s8, s20, $0xb8;
	[tilespmem:$0x1E800] =	vst v63  }
0x6b: {  	_ =	swait.ge [sflag:s28], $0x2000  }
0x6c: {  	[sflag:s28] =	ssyncset.done $0x0  }
0x6d: {  	[sflag:s28] =	ssyncadd.s32 $0xFFFFE000  }
0x6e: {  	[spmem:s2] =	stream.indirect.scatter.add.f32 [tilespmem:s18], [sflag:$0x5], $0x80, s20, s20, $0xb8;
	[tilespmem:$0x1E800] =	vst v63  }
0x6f: {  	_ =	swait.ge [sflag:s29], $0x2000  }
0x70: {  	[sflag:s29] =	ssyncset.done $0x0  }
0x71: {  	s9 =	simm.s32 $0xC0;
	[sflag:s29] =	ssyncadd.s32 $0xFFFFE000  }
0x72: {  	[spmem:s2] =	stream.indirect.scatter.add.f32 [tilespmem:s22], [sflag:$0x6], $0x80, s9, s20, $0xb8;
	[tilespmem:$0x1E800] =	vst v63  }
0x73: {  	_ =	swait.ge [sflag:s31], $0x2000  }
0x74: {  	[sflag:s31] =	ssyncset.done $0x0  }
0x75: {  	s10 =	simm.s32 $0x200;
	[sflag:s31] =	ssyncadd.s32 $0xFFFFE000  }
0x76: {  	[tilespmem:s18], [sflag:$0x1] =	stream.indirect.gather [hbm4b:s4+s20], $0x80, s10, s20, $0xb8;
	[tilespmem:$0x1E800] =	vst v63  }
0x77: {  	_ =	swait.ge [sflag:s1], $0x2000  }
0x78: {  	[sflag:s1] =	ssyncset.done $0x0  }
0x79: {  	s7 =	simm.s32 $0x140;
	[sflag:s1] =	ssyncadd.s32 $0xFFFFE000  }
0x7a: {  	[spmem:s2] =	stream.indirect.scatter.add.f32 [tilespmem:s24], [sflag:$0x7], $0x80, s7, s20, $0xb8;
	[tilespmem:$0x1E800] =	vst v63  }
0x7b: {  	_ =	swait.ge [sflag:s23], $0x2000  }
0x7c: {  	[sflag:s23] =	ssyncset.done $0x0  }
0x7d: {  	s8 =	simm.s32 $0x280;
	[sflag:s23] =	ssyncadd.s32 $0xFFFFE000  }
0x7e: {  	[tilespmem:s22], [sflag:$0x2] =	stream.indirect.gather [hbm4b:s4+s20], $0x80, s8, s20, $0xb8;
	[tilespmem:$0x1E800] =	vst v63  }
0x7f: {  	_ =	swait.ge [sflag:s30], $0x2000  }
0x80: {  	[sflag:s30] =	ssyncset.done $0x0  }
0x81: {  	s9 =	simm.s32 $0x1C0;
	[sflag:s30] =	ssyncadd.s32 $0xFFFFE000  }
0x82: {  	[spmem:s2] =	stream.indirect.scatter.add.f32 [tilespmem:s26], [sflag:$0x8], $0x80, s9, s20, $0xb8;
	[tilespmem:$0x1E800] =	vst v63  }
0x83: {  	_ =	swait.ge [sflag:s21], $0x2000  }
0x84: {  	[sflag:s21] =	ssyncset.done $0x0  }
0x85: {  	s10 =	simm.s32 $0x300;
	[sflag:s21] =	ssyncadd.s32 $0xFFFFE000  }
0x86: {  	[tilespmem:s24], [sflag:$0x3] =	stream.indirect.gather [hbm4b:s4+s20], $0x80, s10, s20, $0xb8;
	[tilespmem:$0x1E800] =	vst v63  }
.LBB2_4:
0x87: {  	_ =	swait.ge [sflag:s28], $0x2000  }
0x88: {  	s6 =	sshra.s32 s25, $0x2;
	[sflag:s28] =	ssyncset.done $0x0  }
0x89: {  	s7 =	sadd.s32 $0x240, s6;
	[sflag:s28] =	ssyncadd.s32 $0xFFFFE000  }
0x8a: {  	[spmem:s2] =	stream.indirect.scatter.add.f32 [tilespmem:s18], [sflag:$0x5], $0x80, s7, s20, $0xb8;
	[tilespmem:$0x1E800] =	vst v63  }
0x8b: {  	_ =	swait.ge [sflag:s0], $0x2000  }
0x8c: {  	[sflag:s0] =	ssyncset.done $0x0  }
0x8d: {  	s8 =	sadd.s32 $0x380, s6;
	[sflag:s0] =	ssyncadd.s32 $0xFFFFE000  }
0x8e: {  	[tilespmem:s26], [sflag:$0x4] =	stream.indirect.gather [hbm4b:s4+s20], $0x80, s8, s20, $0xb8;
	[tilespmem:$0x1E800] =	vst v63  }
0x8f: {  	_ =	swait.ge [sflag:s29], $0x2000  }
0x90: {  	p0 =	seq.s32 s25, $0x9000;
	[sflag:s29] =	ssyncset.done $0x0  }
0x91: {  	s9 =	sadd.s32 $0x2C0, s6;
	s7 =	simm.s32 @p0 $0x3;
	[sflag:s29] =	ssyncadd.s32 $0xFFFFE000  }
0x92: {  	[spmem:s2] =	stream.indirect.scatter.add.f32 [tilespmem:s22], [sflag:$0x6], $0x80, s9, s20, $0xb8;
	[tilespmem:$0x1E800] =	vst v63  }
0x93: {  	_ =	swait.ge @p0 [sflag:s7], $0x2000  }
0x94: {  	[sflag:s7] =	ssyncset.done @p0 $0x0  }
0x95: {  	[sflag:s7] =	ssyncadd.s32 @p0 $0xFFFFE000;
	s7 =	sshra.s32 @p0 s25, $0x2  }
0x96: {  	s8 =	simm.s32 @p0 $0x40;
	s9 =	simm.s32 @p0 $0x6800;
	s7 =	sadd.s32 @p0 $0x340, s7  }
0x97: {  	[spmem:s2] =	stream.indirect.scatter.add.f32 @p0 [tilespmem:s9], [sflag:$0x7], $0x80, s7, s8, $0xb8;
	[tilespmem:$0x1E800] =	vst v63  }
0x98: {  	s7 =	simm.s32 @!p0 $0x5  }
0x99: {  	_ =	swait.ge @!p0 [sflag:s7], $0x2000  }
0x9a: {  	[sflag:s7] =	ssyncset.done @!p0 $0x0  }
0x9b: {  	[sflag:s7] =	ssyncadd.s32 @!p0 $0xFFFFE000;
	s7 =	sshra.s32 @!p0 s25, $0x2  }
0x9c: {  	s10 =	simm.s32 @!p0 $0x2800;
	s9 =	simm.s32 @!p0 $0x40;
	s8 =	sadd.s32 @!p0 $0x400, s7  }
0x9d: {  	[tilespmem:s10], [sflag:$0x1] =	stream.indirect.gather @!p0 [hbm4b:s4+s9], $0x80, s8, s9, $0xb8;
	[tilespmem:$0x1E800] =	vst v63  }
0x9e: {  	s8 =	simm.s32 @!p0 $0x3  }
0x9f: {  	_ =	swait.ge @!p0 [sflag:s8], $0x2000  }
0xa0: {  	[sflag:s8] =	ssyncset.done @!p0 $0x0  }
0xa1: {  	s10 =	simm.s32 @!p0 $0x6800;
	[sflag:s8] =	ssyncadd.s32 @!p0 $0xFFFFE000;
	s8 =	sadd.s32 @!p0 $0x340, s7  }
0xa2: {  	[spmem:s2] =	stream.indirect.scatter.add.f32 @!p0 [tilespmem:s10], [sflag:$0x7], $0x80, s8, s9, $0xb8;
	[tilespmem:$0x1E800] =	vst v63  }
0xa3: {  	s8 =	simm.s32 @!p0 $0x6  }
0xa4: {  	_ =	swait.ge @!p0 [sflag:s8], $0x2000  }
0xa5: {  	[sflag:s8] =	ssyncset.done @!p0 $0x0  }
0xa6: {  	s7 =	sadd.s32 @!p0 $0x480, s7;
	[sflag:s8] =	ssyncadd.s32 @!p0 $0xFFFFE000;
	s8 =	simm.s32 @!p0 $0x4800  }
0xa7: {  	[tilespmem:s8], [sflag:$0x2] =	stream.indirect.gather @!p0 [hbm4b:s4+s9], $0x80, s7, s9, $0xb8;
	[tilespmem:$0x1E800] =	vst v63  }
.Ltmp3:
0xa8: {  	_ = 	snop;
	(pc) =	sbr.rel @p0 .LBB2_6-.Ltmp3, $4  }
0xa9: {  	_ =	swait.ge [sflag:s30], $0x2000  }
0xaa: {  	[sflag:s30] =	ssyncset.done $0x0  }
0xab: {  	s10 =	sadd.s32 $0x3C0, s6;
	[sflag:s30] =	ssyncadd.s32 $0xFFFFE000  }
0xac: {  	[spmem:s2] =	stream.indirect.scatter.add.f32 [tilespmem:s26], [sflag:$0x8], $0x80, s10, s20, $0xb8;
	[tilespmem:$0x1E800] =	vst v63  }
.Ltmp4:
0xad: {  	(pc) =	sbr.rel .LBB2_4-.Ltmp4, $4  }
0xae: {  	_ =	swait.ge [sflag:s21], $0x2000  }
0xaf: {  	[sflag:s21] =	ssyncset.done $0x0  }
0xb0: {  	s6 =	sadd.s32 $0x500, s6;
	s25 =	sadd.s32 $0x800, s25;
	[sflag:s21] =	ssyncadd.s32 $0xFFFFE000  }
0xb1: {  	[tilespmem:s24], [sflag:$0x3] =	stream.indirect.gather [hbm4b:s4+s20], $0x80, s6, s20, $0xb8;
	[tilespmem:$0x1E800] =	vst v63  }
.LBB2_7:
0xb2: {  	_ =	sfence.sel $0x180000  }
0xb3: {  	[bflag:$0x0] =	sbarrier.arrive $0xFFFF  }
0xb4: {  	_ =	strace $0x9000004A  }
0xb5: {  	s0 =	stileid.u32;
	[bflag:$0x2] =	sbarrier.arrive $0xFFFF  }
0xb6: {  	p0 =	sne.s32 s0, $0x0;
	s0 =	rddreg [dreg:$0x2]  }
0xb7: {  	s0 =	sadd.s32 @!p0 $0x100000, s0  }
0xb8: {  	[sflag:s0] =	ssyncadd.tile.s32 @!p0 $0x1;
	_ =	shalt  }
.Lfunc_end2:
_tile_overlayer_lowered:
.L_overlay_start_2:
0xb9: {  	(tag) =	ssettag $0x2  }
0xba: {  	s0 =	rddreg [dreg:$0x0];
	s2 =	stileid.u32  }
0xbb: {  	s1 =	rddreg [dreg:$0x1];
	p0 =	sne.s32 s2, $0x0  }
0xbc: {  	s3 =	rddreg [dreg:$0x2];
	[bflag:$0x3] =	sbarrier.arrive $0xFFFF;
	s2 =	simm.s32 @!p0 $0x1C09  }
0xbd: {  	[timem:s3], [sflag:s2] =	dma.local @!p0 [hbm:s0], s1  }
0xbe: {  	s0 =	simm.s32 @!p0 $0x9  }
0xbf: {  	_ =	swait.ge @!p0 [sflag:s0], s1  }
0xc0: {  	s1 =	ssub.s32 @!p0 $0x0, s1;
	[sflag:s0] =	ssyncset.done @!p0 $0x0  }
0xc1: {  	[sflag:s0] =	ssyncadd.s32 @!p0 s1  }
0xc2: {  	[bflag:$0x3] =	sbarrier.arrive $0xFFFF  }
0xc3: {  	_ =	shalt  }

// kernel: kernel.14.cloned.1.call-start
scs
__scs_entry_jumppad:
0x0: {  	(pc) =	sbr.rel $0x88, $3  }
0x1: {  	(tag) =	ssettag $0x0;
	lr =	simm.s32 $0x1  }
0x2: {  	[smem:$0x3F99] =	sst lr;
	_ =	strace $0xD0000000  }
0x3: {  	_ = 	snop  }
0x4: {  	_ = 	snop  }
0x5: {  	_ = 	snop  }
0x6: {  	_ = 	snop  }
0x7: {  	_ = 	snop  }
__scs_overlays_trampoline_lowered:
0x8: {  	[smem:$0x3FA8] =	sst s0  }
0x9: {  	[smem:$0x3FA9] =	sst s1  }
0xa: {  	[smem:$0x3FAA] =	sst s2  }
0xb: {  	[smem:$0x3FAB] =	sst s3  }
0xc: {  	[smem:$0x3FAC] =	sst s4  }
0xd: {  	[smem:$0x3FAD] =	sst s5  }
0xe: {  	[smem:$0x3FAE] =	sst s6  }
0xf: {  	[smem:$0x3FAF] =	sst s7  }
0x10: {  	[smem:$0x3FB0] =	sst s8  }
0x11: {  	[smem:$0x3FB1] =	sst s9;
	s0 =	simm.s32 @!p0 $0x0  }
0x12: {  	s1 =	sld [smem:$0x3F97];
	s0 =	simm.s32 @p0 $0x1  }
0x13: {  	[smem:$0x3FB2] =	sst s0;
	s0 =	simm.s32 @!p1 $0x0  }
0x14: {  	s2 =	sld [smem:$0x3F96];
	s0 =	simm.s32 @p1 $0x1  }
0x15: {  	[smem:$0x3FB3] =	sst s0;
	s0 =	simm.s32 @!p2 $0x0  }
0x16: {  	s3 =	sld [smem:$0x3FDB];
	s0 =	simm.s32 @p2 $0x1  }
0x17: {  	s4 =	simm.s32 $0x1BF5;
	[smem:$0x3FB5] =	sst s0  }
0x18: {  	s0 =	sld [smem:$0x3F98];
	_ =	swait.ge [sflag:s4], $0x0  }
0x19: {  	s7 =	sld [smem:$0x3F99]  }
0x1a: {  	s8 =	sadd.s32 $0xFFFFE003, lr  }
0x1b: {  	s9 =	sadd.s32 $0xFFFFFEF7, lr;
	s5 =	simm.s32 $0xFFFFFFFF;
	p2 =	slt.u32 s8, $0xFFFFF086  }
0x1c: {  	p1 =	slt.u32 s9, $0xF7A;
	s5 =	simm.s32 @!p2 $0x0  }
0x1d: {  	s5 =	simm.s32 @p1 $0x1;
	p0 =	seq.s32 s7, s2  }
0x1e: {  	s7 =	smul.u32 @!p0 $0xF7A, s2;
	p2 =	seq.s32 @!p0 s5, $0x0  }
0x1f: {  	s9 =	smul.u32 $0xF7A, s1;
	s8 =	simm.s32 @!p0 $0x1BF5;
	p2 =	por !p2, p0  }
0x20: {  	[sflag:s8] =	ssyncset.s32 @!p0 $0xFFFFF086;
	s6 =	sadd.s32 @!p0 s3, s7;
	s7 =	simm.s32 @!p0 $0x108  }
0x21: {  	s3 =	sadd.s32 s3, s9;
	s6 =	sadd.s32 @!p0 $0x88, s6;
	s7 =	simm.s32 @p2 $0x1082  }
0x22: {  	[simem:s7], [sflag:s8] =	dma.local @!p0 [hbm:s6], $0xF7A  }
0x23: {  	s9 =	sor.u32 $0xD0000000, s2;
	s6 =	simm.s32 $0x108;
	_ =	swait.ge @!p0 [sflag:s8], $0x0  }
0x24: {  	s3 =	sadd.s32 $0x88, s3;
	s6 =	simm.s32 @!p1 $0x1082;
	[sflag:s4] =	ssyncset.s32 $0xFFFFF086  }
0x25: {  	[simem:s6], [sflag:s4] =	dma.local [hbm:s3], $0xF7A  }
0x26: {  	[smem:$0x3F99] =	sst s1;
	(tag) =	ssettag s2;
	_ =	strace s9  }
0x27: {  	s1 =	sld [smem:$0x3FA9]  }
0x28: {  	s2 =	sld [smem:$0x3FAA]  }
0x29: {  	s4 =	sld [smem:$0x3FAC]  }
0x2a: {  	p0 =	seq.s32 s5, $0x0;
	s5 =	sld [smem:$0x3FAD]  }
0x2b: {  	s6 =	sld [smem:$0x3FAE]  }
0x2c: {  	s7 =	sld [smem:$0x3FAF]  }
0x2d: {  	s3 =	simm.s32 $0x108;
	s8 =	sld [smem:$0x3FB0]  }
0x2e: {  	s3 =	simm.s32 @!p0 $0x1082;
	s9 =	sld [smem:$0x3FB1]  }
0x2f: {  	lr =	sadd.s32 s0, s3;
	s0 =	sld [smem:$0x3FA8]  }
0x30: {  	s3 =	sld [smem:$0x3FAB]  }
0x31: {  	[smem:$0x3FB4] =	sst s10  }
0x32: {  	s10 =	sld [smem:$0x3FB2];
	_ =	sdelay $0x3  }
0x33: {  	p0 =	seq.s32 s10, $0x1;
	s10 =	sld [smem:$0x3FB4];
	_ =	sdelay $0x3  }
0x34: {  	[smem:$0x3FB4] =	sst s10  }
0x35: {  	s10 =	sld [smem:$0x3FB3];
	_ =	sdelay $0x3  }
0x36: {  	p1 =	seq.s32 s10, $0x1;
	s10 =	sld [smem:$0x3FB4];
	_ =	sdelay $0x3  }
0x37: {  	[smem:$0x3FB4] =	sst s10  }
0x38: {  	s10 =	sld [smem:$0x3FB5]  }
0x39: {  	_ = 	snop;
	(pc) =	sbr.ind lr, $3  }
0x3a: {  	_ = 	snop  }
0x3b: {  	_ = 	snop  }
0x3c: {  	p2 =	seq.s32 s10, $0x1;
	s10 =	sld [smem:$0x3FB4]  }
0x3d: {  	_ =	shalt  }
0x3e: {  	_ =	shalt  }
0x3f: {  	_ =	shalt  }
0x40: {  	_ =	shalt  }
0x41: {  	_ =	shalt  }
0x42: {  	_ =	shalt  }
0x43: {  	_ =	shalt  }
0x44: {  	_ =	shalt  }
0x45: {  	_ =	shalt  }
0x46: {  	_ =	shalt  }
0x47: {  	_ =	shalt  }
0x48: {  	_ =	shalt  }
0x49: {  	_ =	shalt  }
0x4a: {  	_ =	shalt  }
0x4b: {  	_ =	shalt  }
0x4c: {  	_ =	shalt  }
0x4d: {  	_ =	shalt  }
0x4e: {  	_ =	shalt  }
0x4f: {  	_ =	shalt  }
0x50: {  	_ =	shalt  }
0x51: {  	_ =	shalt  }
0x52: {  	_ =	shalt  }
0x53: {  	_ =	shalt  }
0x54: {  	_ =	shalt  }
0x55: {  	_ =	shalt  }
0x56: {  	_ =	shalt  }
0x57: {  	_ =	shalt  }
0x58: {  	_ =	shalt  }
0x59: {  	_ =	shalt  }
0x5a: {  	_ =	shalt  }
0x5b: {  	_ =	shalt  }
0x5c: {  	_ =	shalt  }
0x5d: {  	_ =	shalt  }
0x5e: {  	_ =	shalt  }
0x5f: {  	_ =	shalt  }
0x60: {  	_ =	shalt  }
0x61: {  	_ =	shalt  }
0x62: {  	_ =	shalt  }
0x63: {  	_ =	shalt  }
0x64: {  	_ =	shalt  }
0x65: {  	_ =	shalt  }
0x66: {  	_ =	shalt  }
0x67: {  	_ =	shalt  }
0x68: {  	_ =	shalt  }
0x69: {  	_ =	shalt  }
0x6a: {  	_ =	shalt  }
0x6b: {  	_ =	shalt  }
0x6c: {  	_ =	shalt  }
0x6d: {  	_ =	shalt  }
0x6e: {  	_ =	shalt  }
0x6f: {  	_ =	shalt  }
0x70: {  	_ =	shalt  }
0x71: {  	_ =	shalt  }
0x72: {  	_ =	shalt  }
0x73: {  	_ =	shalt  }
0x74: {  	_ =	shalt  }
0x75: {  	_ =	shalt  }
0x76: {  	_ =	shalt  }
0x77: {  	_ =	shalt  }
0x78: {  	_ =	shalt  }
0x79: {  	_ =	shalt  }
0x7a: {  	_ =	shalt  }
0x7b: {  	_ =	shalt  }
0x7c: {  	_ =	shalt  }
0x7d: {  	_ =	shalt  }
0x7e: {  	_ =	shalt  }
0x7f: {  	_ =	shalt  }
0x80: {  	_ =	shalt  }
0x81: {  	_ =	shalt  }
0x82: {  	_ =	shalt  }
0x83: {  	_ =	shalt  }
0x84: {  	_ =	shalt  }
0x85: {  	_ =	shalt  }
0x86: {  	_ =	shalt  }
0x87: {  	_ =	shalt  }
.Lfunc_end0:
.L_simem_size_0:
called_computation.2_lowered:
.L_overlay_start_0:
0x88: {  	s2 =	sld [smem:$0x3FD9]  }
0x89: {  	s3 =	sld [smem:$0x3FFE];
	_ =	sdelay $0x1  }
0x8a: {  	s1 =	srdreg.scid  }
0x8b: {  	s0 =	sand.u32 $0x1, s1  }
0x8c: {  	s17 =	sshll.u32 s0, $0xA;
	s2 =	sadd.s32 s3, s2  }
0x8d: {  	s2 =	sadd.s32 s2, s17  }
0x8e: {  	[smem:$0x3FC0] =	sst s2  }
0x8f: {  	_ = 	snop  }
0x90: {  	s2 =	sld [smem:$0x3FD0];
	(tm) =	ssettm $0x1  }
0x91: {  	s18 =	sld [smem:$0x3FFB];
	_ =	sdelay $0x3  }
0x92: {  	_ =	strace s18  }
0x93: {  	s3 =	sld [smem:$0x3FFC];
	_ =	sdelay $0x3  }
0x94: {  	_ =	strace s3  }
0x95: {  	s3 =	sld [smem:$0x3FFD];
	_ =	sdelay $0x3  }
0x96: {  	_ =	strace s3  }
0x97: {  	_ =	strace $0x8FFFFFFF  }
0x98: {  	s19 =	sld [smem:$0x3FDB];
	_ =	sdelay $0x1  }
0x99: {  	s4 =	simm.s32 $_scs_section_size  }
0x9a: {  	s5 =	simm.s32 $_size__tile_overlayer_lowered;
	s6 =	simm.s32 $_tile_overlayer_lowered  }
0x9b: {  	s22 =	simm.s32 $0x1BFF;
	s21 =	sshll.u32 s6, $0x1;
	s3 =	sadd.s32 s4, s19  }
0x9c: {  	s7 =	simm.s32 $0x0;
	s20 =	sshll.u32 s5, $0x1;
	s5 =	sadd.s32 s21, s3  }
0x9d: {  	[timem:s7], [sflag:s22] =	dma.local [hbm:s5], s20  }
0x9e: {  	_ =	swait.ge [sflag:s22], s20  }
0x9f: {  	s4 =	ssub.s32 $0x0, s20;
	[sflag:s22] =	ssyncset.done $0x0  }
0xa0: {  	[sflag:s22] =	ssyncadd.s32 s4;
	_ =	sdelay $0x1  }
0xa1: {  	s23 =	simm.s32 $0x1B8B  }
0xa2: {  	_ =	swait.ge [sflag:s23], $0x1  }
0xa3: {  	[sflag:s23] =	ssyncset.done $0x0  }
0xa4: {  	s25 =	simm.s32 $0x1B8E;
	s24 =	sld [smem:$0x3FFE];
	[sflag:s23] =	ssyncadd.s32 $0xFFFFFFFF  }
0xa5: {  	s26 =	simm.s32 $execute0_lowered;
	[smem:$0x3FD2] =	sst s25  }
0xa6: {  	s5 =	sshll.u32 s26, $0x1;
	_ =	strace $0x8000004C;
	[dreg:$0x1] =	wrdreg $0xFFFFFFFF  }
0xa7: {  	s28 =	simm.s32 $_size_execute0_lowered;
	s3 =	sadd.s32 s3, s5;
	[dreg:$0x0] =	wrdreg $0x0  }
0xa8: {  	s5 =	sshll.u32 s28, $0x1;
	[dreg:$0x2] =	wrdreg s3  }
0xa9: {  	[dreg:$0x3] =	wrdreg s5  }
0xaa: {  	[dreg:$0x4] =	wrdreg $0xC0  }
0xab: {  	_ =	task [dreg:s7], $0x5FFFF  }
0xac: {  	[dreg:$0x1] =	wrdreg $0xFFFFFFFF  }
0xad: {  	[dreg:$0x0] =	wrdreg $0x60  }
0xae: {  	[dreg:$0x2] =	wrdreg s2  }
0xaf: {  	[dreg:$0x3] =	wrdreg s24  }
0xb0: {  	[dreg:$0x4] =	wrdreg $0x9  }
0xb1: {  	_ =	task.clear_ibuf [dreg:s7], $0x5FFFF;
	_ =	strace $0x9000004C  }
0xb2: {  	s29 =	simm.s32 $0x9;
	_ =	strace $0x8000004E  }
0xb3: {  	_ =	swait.ge [sflag:s29], $0x1  }
0xb4: {  	[sflag:s29] =	ssyncadd.s32 $0xFFFFFFFF  }
0xb5: {  	_ =	strace $0x9000004E  }
0xb6: {  	_ =	sfence  }
0xb7: {  	s30 =	sld [smem:$0x0];
	_ =	sdelay $0x2  }
0xb8: {  	s31 =	sshll.u32 s1, $0xD;
	s1 =	sshrl.u32 s1, $0x2  }
0xb9: {  	s3 =	sand.u32 $0x4000, s31;
	s1 =	sadd.s32 s1, s30  }
0xba: {  	s0 =	sor.u32 s3, s0;
	s1 =	sshll.u32 s1, $0x11  }
0xbb: {  	s0 =	sor.u32 s1, s0  }
0xbc: {  	s0 =	sadd.s32 $0x8F2B, s0  }
0xbd: {  	[sflag:s0] =	ssyncadd.remote.s32 $0x1  }
0xbe: {  	_ =	sfence.sel $0xFFFF  }
0xbf: {  	[dreg:$0x0] =	wrdreg $0xFFFFFFFF;
	(pc) =	sbr.abs _section_cstart, $3  }
0xc0: {  	[dreg:$0x1] =	wrdreg $0xFFFFFFFF  }
0xc1: {  	_ =	task.clear_ibuf [dreg:s7], $0x2FFFF;
	_ =	strace $0x9FFFFFFF  }
0xc2: {  	(tm) =	ssettm $0x7FFFFFFF  }
0xc3: {  	_ =	shalt  }
tec
execute0_lowered:
.L_overlay_start_1:
0x0: {  	(tag) =	ssettag $0x1  }
0x1: {  	s2 =	rddreg [dreg:$0x0]  }
0x2: {  	s0 =	srdreg.scid;
	s5 =	rddreg [dreg:$0x1]  }
0x3: {  	s3 =	simm.s32 $0x0;
	s9 =	simm.s32 $0x1;
	s4 =	sand.u32 $0x1, s0  }
0x4: {  	s10 =	simm.s32 $0x1400;
	s0 =	stileid.u32;
	s1 =	sshll.u32 s4, $0x4  }
0x5: {  	s11 =	simm.s32 $0x5000;
	s12 =	simm.s32 $0x80;
	s6 =	sor.u32 s0, s1  }
0x6: {  	s13 =	simm.s32 $0x400;
	[smem:$0x7FF] =	sst s3;
	s7 =	sshrl.u32 s6, $0x3  }
0x7: {  	s8 =	sshll.u32 s0, $0x7;
	s4 =	ssub.s32 $0x2, s4;
	s7 =	smul.u32 $0x14000, s7  }
0x8: {  	s1 =	rddreg [dreg:$0x2];
	s8 =	sand.u32 $0x380, s8;
	s6 =	smul.u32 $0x280, s6  }
0x9: {  	_ =	strace $0x8000004D;
	s31 =	sshrl.u32 s4, $0x1;
	s7 =	sor.u32 s8, s7  }
0xa: {  	s6 =	sadd.s32 s6, s5;
	s8 =	ssub.s32 s4, s31;
	s7 =	sshrl.u32 s7, $0x3  }
0xb: {  	s4 =	sadd.s32 $0x8200, s6;
	s7 =	sadd.s32 s7, s5;
	s5 =	sadd.s32 $0x3200, s6  }
0xc: {  	v0 =	vimm.f32 $0.0e+00;
	s6 =	sadd.s32 $0xD200, s7;
	s7 =	smax.u32 s8, $0x1;
	s8 =	simm.s32 $0x2800  }
.LBB2_1:
0xd: {  	s14 =	simm.s32 $0x40;
	s15 =	simm.s32 $0x0  }
.LBB2_2:
0xe: {  	p0 =	sne.s32 s14, $0x9FC0;
	[tilespmem:s15+$0x5000] =	vst v0;
	s15 =	smov.u32 s14;
	s14 =	sadd.s32 $0x40, s14  }
.Ltmp0:
0xf: {  	(pc) =	sbr.rel @p0 .LBB2_2-.Ltmp0, $2  }
0x10: {  	_ =	sdelay $0x2  }
0x11: {  	s15 =	sshra.s32 s15, $0x2  }
0x12: {  	[tilespmem:s15+$0x5000] =	vst v0;
	s14 =	simm.s32 $0x0  }
0x13: {  	[tilespmem:s8], [sflag:$0x1] =	stream.linear.gather [hbm4b:s2+s14], $0x2800, $0x38;
	[tilespmem:$0x7800] =	vst v63  }
0x14: {  	_ =	swait.ge [sflag:s9], $0x2800  }
0x15: {  	[sflag:s9] =	ssyncset.done $0x0  }
0x16: {  	[sflag:s9] =	ssyncadd.s32 $0xFFFFD800  }
0x17: {  	[tilespmem:s14], [sflag:$0x1] =	stream.linear.gather [hbm4b:s4+s14], $0x1400, $0x38;
	[tilespmem:$0x7800] =	vst v63  }
0x18: {  	_ =	swait.ge [sflag:s9], $0x1400  }
0x19: {  	[sflag:s9] =	ssyncset.done $0x0  }
0x1a: {  	[sflag:s9] =	ssyncadd.s32 $0xFFFFEC00  }
0x1b: {  	[tilespmem:s10], [sflag:$0x1] =	stream.linear.gather [hbm4b:s5+s14], $0x1400, $0x38;
	[tilespmem:$0x7800] =	vst v63  }
0x1c: {  	_ =	swait.ge [sflag:s9], $0x1400  }
0x1d: {  	[sflag:s9] =	ssyncset.done $0x0  }
0x1e: {  	s15 =	simm.s32 $0x0;
	s14 =	simm.s32 $0x40;
	[sflag:s9] =	ssyncadd.s32 $0xFFFFEC00  }
.LBB2_4:
0x1f: {  	p0 =	sne.s32 s14, $0x4FC0;
	v1 =	vld [tilespmem:s15+$0x0];
	_ =	sdelay $0x5  }
0x20: {  	v2 =	vld [tilespmem:s15+$0x1400];
	_ =	sdelay $0x1  }
0x21: {  	v1 =	vld.idx.msk [tilespmem:v1+s8+$0x0], $0xffff;
	_ =	sdelay $0x1  }
.Ltmp1:
0x22: {  	(pc) =	sbr.rel @p0 .LBB2_4-.Ltmp1, $2  }
0x23: {  	_ =	sdelay $0x2  }
0x24: {  	s15 =	sshra.s32 s14, $0x2;
	s14 =	sadd.s32 $0x40, s14;
	[tilespmem:v2+s11+$0x0] =	vst.idx.add.f32.msk $0xffff, v1  }
0x25: {  	v1 =	vld [tilespmem:s15+$0x0];
	_ =	sdelay $0x4  }
0x26: {  	v2 =	vld [tilespmem:s15+$0x1400];
	_ =	sdelay $0x2  }
0x27: {  	v1 =	vld.idx.msk [tilespmem:v1+s8+$0x0], $0xffff;
	_ =	sdelay $0x2  }
0x28: {  	s3 =	sadd.s32 $0x1, s3  }
0x29: {  	p0 =	sne.s32 s3, s7  }
.Ltmp2:
0x2a: {  	[tilespmem:v2+s11+$0x0] =	vst.idx.add.f32.msk $0xffff, v1;
	(pc) =	sbr.rel @p0 .LBB2_1-.Ltmp2, $4  }
0x2b: {  	[hbm4b:s6+s12] =	stream.strided.scatter [tilespmem:s11], [sflag:$0x1], $0x2800, s13, s12, $0x38;
	[tilespmem:$0x7800] =	vst v63  }
0x2c: {  	_ =	swait.ge [sflag:s9], $0x2800  }
0x2d: {  	[sflag:s9] =	ssyncset.done $0x0  }
0x2e: {  	[sflag:s9] =	ssyncadd.s32 $0xFFFFD800  }
0x2f: {  	_ =	sfence.sel $0x180000  }
0x30: {  	[bflag:$0x0] =	sbarrier.arrive $0xFFFF  }
0x31: {  	p0 =	sne.s32 s0, $0x0;
	_ =	strace $0x9000004D  }
0x32: {  	s0 =	sadd.s32 @!p0 $0x100000, s1;
	[bflag:$0x2] =	sbarrier.arrive $0xFFFF  }
0x33: {  	[sflag:s0] =	ssyncadd.tile.s32 @!p0 $0x1;
	_ =	shalt  }
.Lfunc_end2:
_tile_overlayer_lowered:
.L_overlay_start_2:
0x34: {  	(tag) =	ssettag $0x2  }
0x35: {  	s0 =	rddreg [dreg:$0x0];
	s2 =	stileid.u32  }
0x36: {  	s1 =	rddreg [dreg:$0x1];
	p0 =	sne.s32 s2, $0x0  }
0x37: {  	s3 =	rddreg [dreg:$0x2];
	[bflag:$0x3] =	sbarrier.arrive $0xFFFF;
	s2 =	simm.s32 @!p0 $0x1C01  }
0x38: {  	[timem:s3], [sflag:s2] =	dma.local @!p0 [hbm:s0], s1  }
0x39: {  	s0 =	simm.s32 @!p0 $0x1  }
0x3a: {  	_ =	swait.ge @!p0 [sflag:s0], s1  }
0x3b: {  	s1 =	ssub.s32 @!p0 $0x0, s1;
	[sflag:s0] =	ssyncset.done @!p0 $0x0  }
0x3c: {  	[sflag:s0] =	ssyncadd.s32 @!p0 s1  }
0x3d: {  	[bflag:$0x3] =	sbarrier.arrive $0xFFFF  }
0x3e: {  	_ =	shalt  }

// kernel: kernel.8.cloned.1.call-start
scs
__scs_entry_jumppad:
0x0: {  	(pc) =	sbr.rel $0x88, $3  }
0x1: {  	(tag) =	ssettag $0x0;
	lr =	simm.s32 $0x1  }
0x2: {  	[smem:$0x3F99] =	sst lr;
	_ =	strace $0xD0000000  }
0x3: {  	_ = 	snop  }
0x4: {  	_ = 	snop  }
0x5: {  	_ = 	snop  }
0x6: {  	_ = 	snop  }
0x7: {  	_ = 	snop  }
__scs_overlays_trampoline_lowered:
0x8: {  	[smem:$0x3FA8] =	sst s0  }
0x9: {  	[smem:$0x3FA9] =	sst s1  }
0xa: {  	[smem:$0x3FAA] =	sst s2  }
0xb: {  	[smem:$0x3FAB] =	sst s3  }
0xc: {  	[smem:$0x3FAC] =	sst s4  }
0xd: {  	[smem:$0x3FAD] =	sst s5  }
0xe: {  	[smem:$0x3FAE] =	sst s6  }
0xf: {  	[smem:$0x3FAF] =	sst s7  }
0x10: {  	[smem:$0x3FB0] =	sst s8  }
0x11: {  	[smem:$0x3FB1] =	sst s9;
	s0 =	simm.s32 @!p0 $0x0  }
0x12: {  	s1 =	sld [smem:$0x3F97];
	s0 =	simm.s32 @p0 $0x1  }
0x13: {  	[smem:$0x3FB2] =	sst s0;
	s0 =	simm.s32 @!p1 $0x0  }
0x14: {  	s2 =	sld [smem:$0x3F96];
	s0 =	simm.s32 @p1 $0x1  }
0x15: {  	[smem:$0x3FB3] =	sst s0;
	s0 =	simm.s32 @!p2 $0x0  }
0x16: {  	s3 =	sld [smem:$0x3FDB];
	s0 =	simm.s32 @p2 $0x1  }
0x17: {  	s4 =	simm.s32 $0x1BF5;
	[smem:$0x3FB5] =	sst s0  }
0x18: {  	s0 =	sld [smem:$0x3F98];
	_ =	swait.ge [sflag:s4], $0x0  }
0x19: {  	s7 =	sld [smem:$0x3F99]  }
0x1a: {  	s8 =	sadd.s32 $0xFFFFE003, lr  }
0x1b: {  	s9 =	sadd.s32 $0xFFFFFEF7, lr;
	s5 =	simm.s32 $0xFFFFFFFF;
	p2 =	slt.u32 s8, $0xFFFFF086  }
0x1c: {  	p1 =	slt.u32 s9, $0xF7A;
	s5 =	simm.s32 @!p2 $0x0  }
0x1d: {  	s5 =	simm.s32 @p1 $0x1;
	p0 =	seq.s32 s7, s2  }
0x1e: {  	s7 =	smul.u32 @!p0 $0xF7A, s2;
	p2 =	seq.s32 @!p0 s5, $0x0  }
0x1f: {  	s9 =	smul.u32 $0xF7A, s1;
	s8 =	simm.s32 @!p0 $0x1BF5;
	p2 =	por !p2, p0  }
0x20: {  	[sflag:s8] =	ssyncset.s32 @!p0 $0xFFFFF086;
	s6 =	sadd.s32 @!p0 s3, s7;
	s7 =	simm.s32 @!p0 $0x108  }
0x21: {  	s3 =	sadd.s32 s3, s9;
	s6 =	sadd.s32 @!p0 $0x88, s6;
	s7 =	simm.s32 @p2 $0x1082  }
0x22: {  	[simem:s7], [sflag:s8] =	dma.local @!p0 [hbm:s6], $0xF7A  }
0x23: {  	s9 =	sor.u32 $0xD0000000, s2;
	s6 =	simm.s32 $0x108;
	_ =	swait.ge @!p0 [sflag:s8], $0x0  }
0x24: {  	s3 =	sadd.s32 $0x88, s3;
	s6 =	simm.s32 @!p1 $0x1082;
	[sflag:s4] =	ssyncset.s32 $0xFFFFF086  }
0x25: {  	[simem:s6], [sflag:s4] =	dma.local [hbm:s3], $0xF7A  }
0x26: {  	[smem:$0x3F99] =	sst s1;
	(tag) =	ssettag s2;
	_ =	strace s9  }
0x27: {  	s1 =	sld [smem:$0x3FA9]  }
0x28: {  	s2 =	sld [smem:$0x3FAA]  }
0x29: {  	s4 =	sld [smem:$0x3FAC]  }
0x2a: {  	p0 =	seq.s32 s5, $0x0;
	s5 =	sld [smem:$0x3FAD]  }
0x2b: {  	s6 =	sld [smem:$0x3FAE]  }
0x2c: {  	s7 =	sld [smem:$0x3FAF]  }
0x2d: {  	s3 =	simm.s32 $0x108;
	s8 =	sld [smem:$0x3FB0]  }
0x2e: {  	s3 =	simm.s32 @!p0 $0x1082;
	s9 =	sld [smem:$0x3FB1]  }
0x2f: {  	lr =	sadd.s32 s0, s3;
	s0 =	sld [smem:$0x3FA8]  }
0x30: {  	s3 =	sld [smem:$0x3FAB]  }
0x31: {  	[smem:$0x3FB4] =	sst s10  }
0x32: {  	s10 =	sld [smem:$0x3FB2];
	_ =	sdelay $0x3  }
0x33: {  	p0 =	seq.s32 s10, $0x1;
	s10 =	sld [smem:$0x3FB4];
	_ =	sdelay $0x3  }
0x34: {  	[smem:$0x3FB4] =	sst s10  }
0x35: {  	s10 =	sld [smem:$0x3FB3];
	_ =	sdelay $0x3  }
0x36: {  	p1 =	seq.s32 s10, $0x1;
	s10 =	sld [smem:$0x3FB4];
	_ =	sdelay $0x3  }
0x37: {  	[smem:$0x3FB4] =	sst s10  }
0x38: {  	s10 =	sld [smem:$0x3FB5]  }
0x39: {  	_ = 	snop;
	(pc) =	sbr.ind lr, $3  }
0x3a: {  	_ = 	snop  }
0x3b: {  	_ = 	snop  }
0x3c: {  	p2 =	seq.s32 s10, $0x1;
	s10 =	sld [smem:$0x3FB4]  }
0x3d: {  	_ =	shalt  }
0x3e: {  	_ =	shalt  }
0x3f: {  	_ =	shalt  }
0x40: {  	_ =	shalt  }
0x41: {  	_ =	shalt  }
0x42: {  	_ =	shalt  }
0x43: {  	_ =	shalt  }
0x44: {  	_ =	shalt  }
0x45: {  	_ =	shalt  }
0x46: {  	_ =	shalt  }
0x47: {  	_ =	shalt  }
0x48: {  	_ =	shalt  }
0x49: {  	_ =	shalt  }
0x4a: {  	_ =	shalt  }
0x4b: {  	_ =	shalt  }
0x4c: {  	_ =	shalt  }
0x4d: {  	_ =	shalt  }
0x4e: {  	_ =	shalt  }
0x4f: {  	_ =	shalt  }
0x50: {  	_ =	shalt  }
0x51: {  	_ =	shalt  }
0x52: {  	_ =	shalt  }
0x53: {  	_ =	shalt  }
0x54: {  	_ =	shalt  }
0x55: {  	_ =	shalt  }
0x56: {  	_ =	shalt  }
0x57: {  	_ =	shalt  }
0x58: {  	_ =	shalt  }
0x59: {  	_ =	shalt  }
0x5a: {  	_ =	shalt  }
0x5b: {  	_ =	shalt  }
0x5c: {  	_ =	shalt  }
0x5d: {  	_ =	shalt  }
0x5e: {  	_ =	shalt  }
0x5f: {  	_ =	shalt  }
0x60: {  	_ =	shalt  }
0x61: {  	_ =	shalt  }
0x62: {  	_ =	shalt  }
0x63: {  	_ =	shalt  }
0x64: {  	_ =	shalt  }
0x65: {  	_ =	shalt  }
0x66: {  	_ =	shalt  }
0x67: {  	_ =	shalt  }
0x68: {  	_ =	shalt  }
0x69: {  	_ =	shalt  }
0x6a: {  	_ =	shalt  }
0x6b: {  	_ =	shalt  }
0x6c: {  	_ =	shalt  }
0x6d: {  	_ =	shalt  }
0x6e: {  	_ =	shalt  }
0x6f: {  	_ =	shalt  }
0x70: {  	_ =	shalt  }
0x71: {  	_ =	shalt  }
0x72: {  	_ =	shalt  }
0x73: {  	_ =	shalt  }
0x74: {  	_ =	shalt  }
0x75: {  	_ =	shalt  }
0x76: {  	_ =	shalt  }
0x77: {  	_ =	shalt  }
0x78: {  	_ =	shalt  }
0x79: {  	_ =	shalt  }
0x7a: {  	_ =	shalt  }
0x7b: {  	_ =	shalt  }
0x7c: {  	_ =	shalt  }
0x7d: {  	_ =	shalt  }
0x7e: {  	_ =	shalt  }
0x7f: {  	_ =	shalt  }
0x80: {  	_ =	shalt  }
0x81: {  	_ =	shalt  }
0x82: {  	_ =	shalt  }
0x83: {  	_ =	shalt  }
0x84: {  	_ =	shalt  }
0x85: {  	_ =	shalt  }
0x86: {  	_ =	shalt  }
0x87: {  	_ =	shalt  }
.Lfunc_end0:
.L_simem_size_0:
called_computation_lowered:
.L_overlay_start_0:
0x88: {  	s2 =	sld [smem:$0x3FD9]  }
0x89: {  	s3 =	sld [smem:$0x3FFE];
	_ =	sdelay $0x1  }
0x8a: {  	s1 =	srdreg.scid  }
0x8b: {  	s0 =	sand.u32 $0x1, s1  }
0x8c: {  	s16 =	sshll.u32 s0, $0xA;
	s2 =	sadd.s32 s3, s2  }
0x8d: {  	s2 =	sadd.s32 s2, s16  }
0x8e: {  	[smem:$0x3FC0] =	sst s2  }
0x8f: {  	_ = 	snop  }
0x90: {  	(tm) =	ssettm $0x1  }
0x91: {  	s17 =	sld [smem:$0x3FFB];
	_ =	sdelay $0x3  }
0x92: {  	_ =	strace s17  }
0x93: {  	s2 =	sld [smem:$0x3FFC];
	_ =	sdelay $0x3  }
0x94: {  	_ =	strace s2  }
0x95: {  	s2 =	sld [smem:$0x3FFD];
	_ =	sdelay $0x3  }
0x96: {  	_ =	strace s2  }
0x97: {  	_ =	strace $0x8FFFFFFF  }
0x98: {  	s18 =	sld [smem:$0x3FDB];
	_ =	sdelay $0x1  }
0x99: {  	s19 =	simm.s32 $_scs_section_size  }
0x9a: {  	s4 =	simm.s32 $_size__tile_overlayer_lowered;
	s5 =	simm.s32 $_tile_overlayer_lowered  }
0x9b: {  	s22 =	simm.s32 $0x1BFF;
	s21 =	sshll.u32 s5, $0x1;
	s2 =	sadd.s32 s19, s18  }
0x9c: {  	s6 =	simm.s32 $0x0;
	s20 =	sshll.u32 s4, $0x1;
	s4 =	sadd.s32 s21, s2  }
0x9d: {  	[timem:s6], [sflag:s22] =	dma.local [hbm:s4], s20  }
0x9e: {  	_ =	swait.ge [sflag:s22], s20  }
0x9f: {  	s3 =	ssub.s32 $0x0, s20;
	[sflag:s22] =	ssyncset.done $0x0  }
0xa0: {  	[sflag:s22] =	ssyncadd.s32 s3;
	_ =	sdelay $0x1  }
0xa1: {  	s23 =	simm.s32 $0x1B8B  }
0xa2: {  	_ =	swait.ge [sflag:s23], $0x1  }
0xa3: {  	[sflag:s23] =	ssyncset.done $0x0  }
0xa4: {  	s25 =	simm.s32 $0x1B8E;
	s24 =	sld [smem:$0x3FFE];
	[sflag:s23] =	ssyncadd.s32 $0xFFFFFFFF  }
0xa5: {  	s26 =	simm.s32 $execute0_lowered;
	[smem:$0x3FD2] =	sst s25  }
0xa6: {  	s4 =	sshll.u32 s26, $0x1;
	_ =	strace $0x80000046;
	[dreg:$0x1] =	wrdreg $0xFFFFFFFF  }
0xa7: {  	s28 =	simm.s32 $_size_execute0_lowered;
	s2 =	sadd.s32 s2, s4;
	[dreg:$0x0] =	wrdreg $0x0  }
0xa8: {  	s4 =	sshll.u32 s28, $0x1;
	[dreg:$0x2] =	wrdreg s2  }
0xa9: {  	[dreg:$0x3] =	wrdreg s4  }
0xaa: {  	[dreg:$0x4] =	wrdreg $0xC0  }
0xab: {  	_ =	task [dreg:s6], $0x5FFFF  }
0xac: {  	[dreg:$0x1] =	wrdreg $0xFFFFFFFF  }
0xad: {  	[dreg:$0x0] =	wrdreg $0x60  }
0xae: {  	[dreg:$0x2] =	wrdreg s24  }
0xaf: {  	[dreg:$0x3] =	wrdreg $0x9  }
0xb0: {  	_ =	task.clear_ibuf [dreg:s6], $0x4FFFF;
	_ =	strace $0x90000046  }
0xb1: {  	s29 =	simm.s32 $0x9;
	_ =	strace $0x80000048  }
0xb2: {  	_ =	swait.ge [sflag:s29], $0x1  }
0xb3: {  	[sflag:s29] =	ssyncadd.s32 $0xFFFFFFFF  }
0xb4: {  	_ =	strace $0x90000048  }
0xb5: {  	_ =	sfence  }
0xb6: {  	s30 =	sld [smem:$0x0];
	_ =	sdelay $0x2  }
0xb7: {  	s31 =	sshll.u32 s1, $0xD;
	s1 =	sshrl.u32 s1, $0x2  }
0xb8: {  	s3 =	sand.u32 $0x4000, s31;
	s1 =	sadd.s32 s1, s30  }
0xb9: {  	s0 =	sor.u32 s3, s0;
	s1 =	sshll.u32 s1, $0x11  }
0xba: {  	s0 =	sor.u32 s1, s0  }
0xbb: {  	s0 =	sadd.s32 $0x8F2B, s0  }
0xbc: {  	[sflag:s0] =	ssyncadd.remote.s32 $0x1  }
0xbd: {  	_ =	sfence.sel $0xFFFF  }
0xbe: {  	[dreg:$0x0] =	wrdreg $0xFFFFFFFF;
	(pc) =	sbr.abs _section_cstart, $3  }
0xbf: {  	[dreg:$0x1] =	wrdreg $0xFFFFFFFF  }
0xc0: {  	_ =	task.clear_ibuf [dreg:s6], $0x2FFFF;
	_ =	strace $0x9FFFFFFF  }
0xc1: {  	(tm) =	ssettm $0x7FFFFFFF  }
tec
execute0_lowered:
.L_overlay_start_1:
0x0: {  	(tag) =	ssettag $0x1  }
0x1: {  	s0 =	srdreg.scid  }
0x2: {  	s3 =	sand.u32 $0x1, s0  }
0x3: {  	s4 =	rddreg [dreg:$0x0];
	s0 =	stileid.u32;
	s1 =	sshll.u32 s3, $0x4  }
0x4: {  	s2 =	simm.s32 $0x0;
	s8 =	simm.s32 $0x80;
	s5 =	sor.u32 s0, s1  }
0x5: {  	s9 =	simm.s32 $0x400;
	[smem:$0x7FF] =	sst s2;
	s6 =	sshrl.u32 s5, $0x3  }
0x6: {  	s7 =	sshll.u32 s0, $0x7;
	s3 =	ssub.s32 $0x2, s3;
	s6 =	smul.u32 $0x14000, s6  }
0x7: {  	s1 =	rddreg [dreg:$0x1];
	s7 =	sand.u32 $0x380, s7;
	s5 =	smul.u32 $0x280, s5  }
0x8: {  	_ =	strace $0x80000047;
	s30 =	sshrl.u32 s3, $0x1;
	s6 =	sor.u32 s7, s6  }
0x9: {  	s31 =	ssub.s32 s3, s30;
	s5 =	sadd.s32 s5, s4;
	s6 =	sshrl.u32 s6, $0x3  }
0xa: {  	s3 =	sadd.s32 $0x3200, s5;
	s5 =	smax.u32 s31, $0x1;
	s4 =	sadd.s32 s6, s4  }
0xb: {  	v0 =	vimm.f32 $0.0e+00;
	v1 =	vimm.f32 $1.000000000e+00;
	s7 =	simm.s32 $0x1400;
	s6 =	simm.s32 $0x1;
	s4 =	sadd.s32 $0xD200, s4  }
.LBB2_1:
0xc: {  	s10 =	simm.s32 $0x40;
	s11 =	simm.s32 $0x0  }
.LBB2_2:
0xd: {  	p0 =	sne.s32 s10, $0x9FC0;
	[tilespmem:s11+$0x1400] =	vst v0;
	s11 =	smov.u32 s10;
	s10 =	sadd.s32 $0x40, s10  }
.Ltmp0:
0xe: {  	(pc) =	sbr.rel @p0 .LBB2_2-.Ltmp0, $2  }
0xf: {  	_ =	sdelay $0x2  }
0x10: {  	s11 =	sshra.s32 s11, $0x2  }
0x11: {  	[tilespmem:s11+$0x1400] =	vst v0;
	s10 =	simm.s32 $0x0  }
0x12: {  	[tilespmem:s10], [sflag:$0x1] =	stream.linear.gather [hbm4b:s3+s10], $0x1400, $0x38;
	[tilespmem:$0x3C00] =	vst v63  }
0x13: {  	_ =	swait.ge [sflag:s6], $0x1400  }
0x14: {  	[sflag:s6] =	ssyncset.done $0x0  }
0x15: {  	s11 =	simm.s32 $0x0;
	s10 =	simm.s32 $0x40;
	[sflag:s6] =	ssyncadd.s32 $0xFFFFEC00  }
.LBB2_4:
0x16: {  	p0 =	sne.s32 s10, $0x4FC0;
	v2 =	vld [tilespmem:s11+$0x0];
	_ =	sdelay $0x3  }
.Ltmp1:
0x17: {  	(pc) =	sbr.rel @p0 .LBB2_4-.Ltmp1, $2  }
0x18: {  	_ =	sdelay $0x2  }
0x19: {  	s11 =	sshra.s32 s10, $0x2;
	s10 =	sadd.s32 $0x40, s10;
	[tilespmem:v2+s7+$0x0] =	vst.idx.add.f32.msk $0xffff, v1  }
0x1a: {  	v2 =	vld [tilespmem:s11+$0x0];
	_ =	sdelay $0x5  }
0x1b: {  	s2 =	sadd.s32 $0x1, s2  }
0x1c: {  	p0 =	sne.s32 s2, s5  }
.Ltmp2:
0x1d: {  	[tilespmem:v2+s7+$0x0] =	vst.idx.add.f32.msk $0xffff, v1;
	(pc) =	sbr.rel @p0 .LBB2_1-.Ltmp2, $4  }
0x1e: {  	[hbm4b:s4+s8] =	stream.strided.scatter [tilespmem:s7], [sflag:$0x1], $0x2800, s9, s8, $0x38;
	[tilespmem:$0x3C00] =	vst v63  }
0x1f: {  	_ =	swait.ge [sflag:s6], $0x2800  }
0x20: {  	[sflag:s6] =	ssyncset.done $0x0  }
0x21: {  	[sflag:s6] =	ssyncadd.s32 $0xFFFFD800  }
0x22: {  	_ =	sfence.sel $0x180000  }
0x23: {  	[bflag:$0x0] =	sbarrier.arrive $0xFFFF  }
0x24: {  	p0 =	sne.s32 s0, $0x0;
	_ =	strace $0x90000047  }
0x25: {  	s0 =	sadd.s32 @!p0 $0x100000, s1;
	[bflag:$0x2] =	sbarrier.arrive $0xFFFF  }
0x26: {  	[sflag:s0] =	ssyncadd.tile.s32 @!p0 $0x1;
	_ =	shalt  }
.Lfunc_end2:
_tile_overlayer_lowered:
.L_overlay_start_2:
0x27: {  	(tag) =	ssettag $0x2  }
0x28: {  	s0 =	rddreg [dreg:$0x0];
	s2 =	stileid.u32  }
0x29: {  	s1 =	rddreg [dreg:$0x1];
	p0 =	sne.s32 s2, $0x0  }
0x2a: {  	s3 =	rddreg [dreg:$0x2];
	[bflag:$0x3] =	sbarrier.arrive $0xFFFF;
	s2 =	simm.s32 @!p0 $0x1C01  }
0x2b: {  	[timem:s3], [sflag:s2] =	dma.local @!p0 [hbm:s0], s1  }
0x2c: {  	s0 =	simm.s32 @!p0 $0x1  }
0x2d: {  	_ =	swait.ge @!p0 [sflag:s0], s1  }
0x2e: {  	s1 =	ssub.s32 @!p0 $0x0, s1;
	[sflag:s0] =	ssyncset.done @!p0 $0x0  }
0x2f: {  	[sflag:s0] =	ssyncadd.s32 @!p0 s1  }
0x30: {  	[bflag:$0x3] =	sbarrier.arrive $0xFFFF  }
0x31: {  	_ =	shalt  }

</sc_bundles>
